<compile_context>
chip_gen: v7x
topology: tpu7x:2x2x1
jax: 0.10.2.dev20260603
libtpu: 0.0.44.dev20260713+nightly
codegen_flags: <defaults>
</compile_context>

<pallas_src>
import functools

import jax
import jax.numpy as jnp
from jax import lax
from jax.experimental import pallas as pl
from jax.experimental.pallas import tpu as pltpu
from jax.experimental.pallas import tpu_sc as plsc


_NC, _NS = 2, 16
_NW = _NC * _NS

_CHUNK = 32
_NBUF = 2


@functools.partial(jax.jit, static_argnames=("rows", "cols", "d"))
def _sc_gather(table, pos, *, rows, cols, d):
    b = rows * cols
    b_per_w = b // _NW
    w_per_row = cols // b_per_w
    nch = b_per_w // _CHUNK
    mesh = plsc.VectorSubcoreMesh(core_axis_name="c", subcore_axis_name="s")

    @functools.partial(
        pl.kernel,
        mesh=mesh,
        out_type=jax.ShapeDtypeStruct((b, d), jnp.float32),
        scratch_types=[
            pltpu.VMEM((b_per_w,), jnp.int32),
            pltpu.VMEM((_CHUNK, d), jnp.float32),
            pltpu.VMEM((_CHUNK, d), jnp.float32),
            pltpu.SemaphoreType.DMA,
            pltpu.SemaphoreType.DMA,
            pltpu.SemaphoreType.DMA,
            pltpu.SemaphoreType.DMA,
        ],
    )
    def k(table_hbm, pos_hbm, out_hbm, idx_v, b0, b1, g0, g1, s0, s1):
        wid = lax.axis_index("s") * _NC + lax.axis_index("c")
        base = pl.multiple_of(wid * b_per_w, 8)
        col = pl.multiple_of((wid % w_per_row) * b_per_w, 8)
        pltpu.sync_copy(
            pos_hbm.at[wid // w_per_row, pl.ds(col, b_per_w)], idx_v
        )

        bufs = (b0, b1)
        gsems = (g0, g1)
        ssems = (s0, s1)

        def gather_start(slot, ch):
            off = pl.multiple_of(ch * _CHUNK, 8)
            pltpu.async_copy(
                table_hbm.at[idx_v.at[pl.ds(off, _CHUNK)]],
                bufs[slot],
                gsems[slot],
            )

        def gather_wait(slot):
            pltpu.make_async_copy(
                table_hbm.at[pl.ds(0, _CHUNK)], bufs[slot], gsems[slot]
            ).wait()

        def store_start(slot, ch):
            row = pl.multiple_of(base + ch * _CHUNK, 8)
            pltpu.async_copy(
                bufs[slot], out_hbm.at[pl.ds(row, _CHUNK)], ssems[slot]
            )

        def store_wait(slot):
            pltpu.make_async_copy(
                bufs[slot], out_hbm.at[pl.ds(base, _CHUNK)], ssems[slot]
            ).wait()

        def pipe_step(t, slot):
            if not isinstance(t, int) or t + 1 < nch:
                nxt = (slot + 1) % _NBUF

                def refill():
                    store_wait(nxt)
                    gather_start(nxt, t + 1)

                if isinstance(t, int):
                    if t + 1 >= _NBUF:
                        refill()
                    else:
                        gather_start(nxt, t + 1)
                else:
                    refill()
            gather_wait(slot)
            store_start(slot, t)

        gather_start(0, 0)
        n_main = ((nch - _NBUF - 1) // _NBUF) * _NBUF
        for t in range(_NBUF):
            pipe_step(t, t % _NBUF)

        def step(i, carry):
            for j in range(_NBUF):
                t = _NBUF + i * _NBUF + j
                pipe_step(t, (_NBUF + j) % _NBUF)
            return carry

        lax.fori_loop(0, n_main // _NBUF, step, 0)
        for t in range(_NBUF + n_main, nch):
            pipe_step(t, t % _NBUF)
        for slot in range(_NBUF):
            store_wait(slot)

    return k(table, pos)


def kernel(pos, pos_embedding):
    rows, cols = pos.shape
    d = pos_embedding.shape[1]
    out = _sc_gather(
        pos_embedding, pos.astype(jnp.int32), rows=rows, cols=cols, d=d
    )
    return out.reshape(rows, cols, d)

# --- scband reference (transcript-rebuilt; emitter-appended) ---
"""Pipeline reference for scband-learned-pe-82832739270731 (READ-ONLY COPY).

The authoritative reference and input builder live on the scoring server;
editing this copy changes nothing except your own understanding.
"""

import jax, jax.numpy as jnp
import numpy as np

T = 8192
D = 1024

def setup_inputs(seed: int = 0) -> dict:
    key = jax.random.key(seed)
    k1, k2 = jax.random.split(key)
    pos = jax.random.randint(k1, (4, 8192), 0, T, dtype=jnp.int64 if jax.config.jax_enable_x64 else jnp.int32)
    pos_embedding = jax.random.normal(k2, (T, D), dtype=jnp.float32)
    return {"pos": pos, "pos_embedding": pos_embedding}

def reference(pos, pos_embedding):
    # Equivalent of nn.Embedding(T, D)(pos): gather rows of the table
    return jnp.take(pos_embedding, pos, axis=0)

if __name__ == "__main__":
    import jax
    _d = setup_inputs()
    print(jax.jit(kernel)(*tuple(_d.values())))

</pallas_src>

<mosaic_0001>
#map = affine_map<(d0, d1) -> (0, 0)>
module attributes {stable_mosaic.version = 14 : i64} {
  func.func @k(%arg0: i32, %arg1: i32, %arg2: memref<8192x1024xf32, #tpu.memory_space<hbm>>, %arg3: memref<4x8192xi32, #tpu.memory_space<hbm>>, %arg4: memref<32768x1024xf32, #tpu.memory_space<hbm>>, %arg5: memref<1024xi32, #tpu.memory_space<vmem>>, %arg6: memref<32x1024xf32, #tpu.memory_space<vmem>>, %arg7: memref<32x1024xf32, #tpu.memory_space<vmem>>, %arg8: memref<!tpu.dma_semaphore, #tpu.memory_space<semaphore_mem>>, %arg9: memref<!tpu.dma_semaphore, #tpu.memory_space<semaphore_mem>>, %arg10: memref<!tpu.dma_semaphore, #tpu.memory_space<semaphore_mem>>, %arg11: memref<!tpu.dma_semaphore, #tpu.memory_space<semaphore_mem>>) attributes {dimension_semantics = [#tpu.dimension_semantics<core_parallel>, #tpu.dimension_semantics<subcore_parallel>], iteration_bounds = array<i64: 2, 16>, scalar_prefetch = 0 : i64, scratch_operands = 7 : i64, tpu.core_type = #tpu.core_type<sc_vector_subcore>, window_params = [{transform_indices = #map}, {transform_indices = #map}, {transform_indices = #map}]} {
    %mul3A = arith.constant 2 : i32
    %mul3A_0 = arith.muli %arg1, %mul3A : i32
    %add3A = arith.addi %mul3A_0, %arg0 : i32
    %mul3A_1 = arith.constant 1024 : i32
    %mul3A_2 = arith.muli %add3A, %mul3A_1 : i32
    %multiple_of3A = tpu.assume_multiple %mul3A_2, 8 : i32
    %jit3A = arith.constant 8 : i32
    %eq3A = arith.constant 0 : i32
    %eq3A_3 = arith.cmpi eq, %jit3A, %eq3A : i32
    %jit3A_4 = arith.constant 1 : i32
    %select_n3A = arith.select %eq3A_3, %jit3A_4, %jit3A : i32
    %rem3A = arith.remsi %add3A, %select_n3A : i32
    %ne3A = arith.constant 0 : i32
    %ne3A_5 = arith.cmpi ne, %rem3A, %ne3A : i32
    %lt3A = arith.constant 0 : i32
    %lt3A_6 = arith.cmpi slt, %rem3A, %lt3A : i32
    %lt3A_7 = arith.constant 0 : i32
    %lt3A_8 = arith.cmpi slt, %select_n3A, %lt3A_7 : i32
    %ne3A_9 = arith.xori %lt3A_6, %lt3A_8 : i1
    %and3A = arith.andi %ne3A_9, %ne3A_5 : i1
    %add3A_10 = arith.addi %rem3A, %select_n3A : i32
    %select_n3A_11 = arith.select %and3A, %add3A_10, %rem3A : i32
    %mul3A_12 = arith.constant 1024 : i32
    %mul3A_13 = arith.muli %select_n3A_11, %mul3A_12 : i32
    %multiple_of3A_14 = tpu.assume_multiple %mul3A_13, 8 : i32
    %jit3A_15 = arith.constant 8 : i32
    %div3A = arith.divsi %add3A, %jit3A_15 : i32
    %sign3A = arith.constant 0 : i32
    %sign3A_16 = arith.cmpi sgt, %add3A, %sign3A : i32
    %sign3A_17 = arith.extui %sign3A_16 : i1 to i32
    %sign3A_18 = arith.constant 0 : i32
    %sign3A_19 = arith.cmpi slt, %add3A, %sign3A_18 : i32
    %sign3A_20 = arith.extui %sign3A_19 : i1 to i32
    %sign3A_21 = arith.subi %sign3A_17, %sign3A_20 : i32
    %sign3A_22 = arith.constant 0 : i32
    %sign3A_23 = arith.cmpi sgt, %jit3A_15, %sign3A_22 : i32
    %sign3A_24 = arith.extui %sign3A_23 : i1 to i32
    %sign3A_25 = arith.constant 0 : i32
    %sign3A_26 = arith.cmpi slt, %jit3A_15, %sign3A_25 : i32
    %sign3A_27 = arith.extui %sign3A_26 : i1 to i32
    %sign3A_28 = arith.subi %sign3A_24, %sign3A_27 : i32
    %ne3A_29 = arith.cmpi ne, %sign3A_21, %sign3A_28 : i32
    %rem3A_30 = arith.remsi %add3A, %jit3A_15 : i32
    %ne3A_31 = arith.constant 0 : i32
    %ne3A_32 = arith.cmpi ne, %rem3A_30, %ne3A_31 : i32
    %and3A_33 = arith.andi %ne3A_29, %ne3A_32 : i1
    %sub3A = arith.constant 1 : i32
    %sub3A_34 = arith.subi %div3A, %sub3A : i32
    %select_n3A_35 = arith.select %and3A_33, %sub3A_34, %div3A : i32
    "tpu.region"() ({
      %run_scoped3A = tpu.sem_alloc : memref<!tpu.dma_semaphore, #tpu.memory_space<semaphore_mem>>
      %dma_start3A_131 = tpu.memref_slice %arg3[%select_n3A_35, %multiple_of3A_14] : memref<4x8192xi32, #tpu.memory_space<hbm>> -> memref<1x1024xi32, #tpu.memory_space<hbm>>
      %dma_start3A_132 = tpu.memref_squeeze %dma_start3A_131 : memref<1x1024xi32, #tpu.memory_space<hbm>> -> memref<1024xi32, #tpu.memory_space<hbm>>
      %dma_start3A_133 = tpu.memref_slice %arg3[%select_n3A_35, %multiple_of3A_14] : memref<4x8192xi32, #tpu.memory_space<hbm>> -> memref<1x1024xi32, #tpu.memory_space<hbm>>
      %dma_start3A_134 = tpu.memref_squeeze %dma_start3A_133 : memref<1x1024xi32, #tpu.memory_space<hbm>> -> memref<1024xi32, #tpu.memory_space<hbm>>
      tpu.enqueue_dma source(%dma_start3A_134 : memref<1024xi32, #tpu.memory_space<hbm>>) target(%arg5 : memref<1024xi32, #tpu.memory_space<vmem>>) target_semaphore(%run_scoped3A : memref<!tpu.dma_semaphore, #tpu.memory_space<semaphore_mem>>)
      %dma_wait3A_135 = tpu.memref_slice %arg3[%select_n3A_35, %multiple_of3A_14] : memref<4x8192xi32, #tpu.memory_space<hbm>> -> memref<1x1024xi32, #tpu.memory_space<hbm>>
      %dma_wait3A_136 = tpu.memref_squeeze %dma_wait3A_135 : memref<1x1024xi32, #tpu.memory_space<hbm>> -> memref<1024xi32, #tpu.memory_space<hbm>>
      %dma_wait3A_137 = tpu.memref_slice %arg3[%select_n3A_35, %multiple_of3A_14] : memref<4x8192xi32, #tpu.memory_space<hbm>> -> memref<1x1024xi32, #tpu.memory_space<hbm>>
      %dma_wait3A_138 = tpu.memref_squeeze %dma_wait3A_137 : memref<1x1024xi32, #tpu.memory_space<hbm>> -> memref<1024xi32, #tpu.memory_space<hbm>>
      tpu.wait_dma2 semaphore(%run_scoped3A : memref<!tpu.dma_semaphore, #tpu.memory_space<semaphore_mem>>) src(%dma_wait3A_138 : memref<1024xi32, #tpu.memory_space<hbm>>) dst(%arg5 : memref<1024xi32, #tpu.memory_space<vmem>>)
      tpu.yield
    }) : () -> ()
    %multiple_of3A_36 = arith.constant 0 : i32
    %multiple_of3A_37 = tpu.assume_multiple %multiple_of3A_36, 8 : i32
    %dma_start3A = tpu.memref_slice %arg5[%multiple_of3A_37] : memref<1024xi32, #tpu.memory_space<vmem>> -> memref<32xi32, #tpu.memory_space<vmem>>
    %dma_start3A_38 = arith.constant 0 : i32
    %dma_start3A_39 = arith.constant 0 : i32
    %dma_start3A_40 = tpu.memref_slice %arg2[%dma_start3A_38, %dma_start3A_39] : memref<8192x1024xf32, #tpu.memory_space<hbm>> -> memref<8192x1024xf32, #tpu.memory_space<hbm>>
    tpu.enqueue_indirect_dma source(%dma_start3A_40 : memref<8192x1024xf32, #tpu.memory_space<hbm>>) target(%arg6 : memref<32x1024xf32, #tpu.memory_space<vmem>>) offsets(%dma_start3A : memref<32xi32, #tpu.memory_space<vmem>>) semaphore(%arg8 : memref<!tpu.dma_semaphore, #tpu.memory_space<semaphore_mem>>)
    %multiple_of3A_41 = arith.constant 32 : i32
    %multiple_of3A_42 = tpu.assume_multiple %multiple_of3A_41, 8 : i32
    %dma_start3A_43 = tpu.memref_slice %arg5[%multiple_of3A_42] : memref<1024xi32, #tpu.memory_space<vmem>> -> memref<32xi32, #tpu.memory_space<vmem>>
    %dma_start3A_44 = arith.constant 0 : i32
    %dma_start3A_45 = arith.constant 0 : i32
    %dma_start3A_46 = tpu.memref_slice %arg2[%dma_start3A_44, %dma_start3A_45] : memref<8192x1024xf32, #tpu.memory_space<hbm>> -> memref<8192x1024xf32, #tpu.memory_space<hbm>>
    tpu.enqueue_indirect_dma source(%dma_start3A_46 : memref<8192x1024xf32, #tpu.memory_space<hbm>>) target(%arg7 : memref<32x1024xf32, #tpu.memory_space<vmem>>) offsets(%dma_start3A_43 : memref<32xi32, #tpu.memory_space<vmem>>) semaphore(%arg9 : memref<!tpu.dma_semaphore, #tpu.memory_space<semaphore_mem>>)
    %dma_wait3A = arith.constant 0 : i32
    %dma_wait3A_47 = arith.constant 0 : i32
    %dma_wait3A_48 = tpu.memref_slice %arg2[%dma_wait3A, %dma_wait3A_47] : memref<8192x1024xf32, #tpu.memory_space<hbm>> -> memref<32x1024xf32, #tpu.memory_space<hbm>>
    %dma_wait3A_49 = arith.constant 0 : i32
    %dma_wait3A_50 = arith.constant 0 : i32
    %dma_wait3A_51 = tpu.memref_slice %arg2[%dma_wait3A_49, %dma_wait3A_50] : memref<8192x1024xf32, #tpu.memory_space<hbm>> -> memref<32x1024xf32, #tpu.memory_space<hbm>>
    tpu.wait_dma2 semaphore(%arg8 : memref<!tpu.dma_semaphore, #tpu.memory_space<semaphore_mem>>) src(%dma_wait3A_51 : memref<32x1024xf32, #tpu.memory_space<hbm>>) dst(%arg6 : memref<32x1024xf32, #tpu.memory_space<vmem>>)
    %add3A_52 = arith.constant 0 : i32
    %add3A_53 = arith.addi %multiple_of3A, %add3A_52 : i32
    %multiple_of3A_54 = tpu.assume_multiple %add3A_53, 8 : i32
    %dma_start3A_55 = arith.constant 0 : i32
    %dma_start3A_56 = tpu.memref_slice %arg4[%multiple_of3A_54, %dma_start3A_55] : memref<32768x1024xf32, #tpu.memory_space<hbm>> -> memref<32x1024xf32, #tpu.memory_space<hbm>>
    %dma_start3A_57 = arith.constant 0 : i32
    %dma_start3A_58 = tpu.memref_slice %arg4[%multiple_of3A_54, %dma_start3A_57] : memref<32768x1024xf32, #tpu.memory_space<hbm>> -> memref<32x1024xf32, #tpu.memory_space<hbm>>
    tpu.enqueue_dma source(%arg6 : memref<32x1024xf32, #tpu.memory_space<vmem>>) target(%dma_start3A_58 : memref<32x1024xf32, #tpu.memory_space<hbm>>) target_semaphore(%arg10 : memref<!tpu.dma_semaphore, #tpu.memory_space<semaphore_mem>>)
    %dma_wait3A_59 = arith.constant 0 : i32
    %dma_wait3A_60 = tpu.memref_slice %arg4[%multiple_of3A, %dma_wait3A_59] : memref<32768x1024xf32, #tpu.memory_space<hbm>> -> memref<32x1024xf32, #tpu.memory_space<hbm>>
    %dma_wait3A_61 = arith.constant 0 : i32
    %dma_wait3A_62 = tpu.memref_slice %arg4[%multiple_of3A, %dma_wait3A_61] : memref<32768x1024xf32, #tpu.memory_space<hbm>> -> memref<32x1024xf32, #tpu.memory_space<hbm>>
    tpu.wait_dma2 semaphore(%arg10 : memref<!tpu.dma_semaphore, #tpu.memory_space<semaphore_mem>>) src(%arg6 : memref<32x1024xf32, #tpu.memory_space<vmem>>) dst(%dma_wait3A_62 : memref<32x1024xf32, #tpu.memory_space<hbm>>)
    %multiple_of3A_63 = arith.constant 64 : i32
    %multiple_of3A_64 = tpu.assume_multiple %multiple_of3A_63, 8 : i32
    %dma_start3A_65 = tpu.memref_slice %arg5[%multiple_of3A_64] : memref<1024xi32, #tpu.memory_space<vmem>> -> memref<32xi32, #tpu.memory_space<vmem>>
    %dma_start3A_66 = arith.constant 0 : i32
    %dma_start3A_67 = arith.constant 0 : i32
    %dma_start3A_68 = tpu.memref_slice %arg2[%dma_start3A_66, %dma_start3A_67] : memref<8192x1024xf32, #tpu.memory_space<hbm>> -> memref<8192x1024xf32, #tpu.memory_space<hbm>>
    tpu.enqueue_indirect_dma source(%dma_start3A_68 : memref<8192x1024xf32, #tpu.memory_space<hbm>>) target(%arg6 : memref<32x1024xf32, #tpu.memory_space<vmem>>) offsets(%dma_start3A_65 : memref<32xi32, #tpu.memory_space<vmem>>) semaphore(%arg8 : memref<!tpu.dma_semaphore, #tpu.memory_space<semaphore_mem>>)
    %dma_wait3A_69 = arith.constant 0 : i32
    %dma_wait3A_70 = arith.constant 0 : i32
    %dma_wait3A_71 = tpu.memref_slice %arg2[%dma_wait3A_69, %dma_wait3A_70] : memref<8192x1024xf32, #tpu.memory_space<hbm>> -> memref<32x1024xf32, #tpu.memory_space<hbm>>
    %dma_wait3A_72 = arith.constant 0 : i32
    %dma_wait3A_73 = arith.constant 0 : i32
    %dma_wait3A_74 = tpu.memref_slice %arg2[%dma_wait3A_72, %dma_wait3A_73] : memref<8192x1024xf32, #tpu.memory_space<hbm>> -> memref<32x1024xf32, #tpu.memory_space<hbm>>
    tpu.wait_dma2 semaphore(%arg9 : memref<!tpu.dma_semaphore, #tpu.memory_space<semaphore_mem>>) src(%dma_wait3A_74 : memref<32x1024xf32, #tpu.memory_space<hbm>>) dst(%arg7 : memref<32x1024xf32, #tpu.memory_space<vmem>>)
    %add3A_75 = arith.constant 32 : i32
    %add3A_76 = arith.addi %multiple_of3A, %add3A_75 : i32
    %multiple_of3A_77 = tpu.assume_multiple %add3A_76, 8 : i32
    %dma_start3A_78 = arith.constant 0 : i32
    %dma_start3A_79 = tpu.memref_slice %arg4[%multiple_of3A_77, %dma_start3A_78] : memref<32768x1024xf32, #tpu.memory_space<hbm>> -> memref<32x1024xf32, #tpu.memory_space<hbm>>
    %dma_start3A_80 = arith.constant 0 : i32
    %dma_start3A_81 = tpu.memref_slice %arg4[%multiple_of3A_77, %dma_start3A_80] : memref<32768x1024xf32, #tpu.memory_space<hbm>> -> memref<32x1024xf32, #tpu.memory_space<hbm>>
    tpu.enqueue_dma source(%arg7 : memref<32x1024xf32, #tpu.memory_space<vmem>>) target(%dma_start3A_81 : memref<32x1024xf32, #tpu.memory_space<hbm>>) target_semaphore(%arg11 : memref<!tpu.dma_semaphore, #tpu.memory_space<semaphore_mem>>)
    %scan3A = arith.constant 0 : i32
    %scan3A_82 = arith.constant 0 : i32
    %scan3A_83 = arith.constant 14 : i32
    %scan3A_84 = arith.addi %scan3A_82, %scan3A_83 : i32
    %scan3A_85 = arith.constant 1 : i32
    scf.for %scan3A_131 = %scan3A_82 to %scan3A_84 step %scan3A_85  : i32 {
      %mul3A_132 = arith.constant 2 : i32
      %mul3A_133 = arith.muli %scan3A_131, %mul3A_132 : i32
      %add3A_134 = arith.constant 2 : i32
      %add3A_135 = arith.addi %add3A_134, %mul3A_133 : i32
      %add3A_136 = arith.constant 0 : i32
      %add3A_137 = arith.addi %add3A_135, %add3A_136 : i32
      %dma_wait3A_138 = arith.constant 0 : i32
      %dma_wait3A_139 = tpu.memref_slice %arg4[%multiple_of3A, %dma_wait3A_138] : memref<32768x1024xf32, #tpu.memory_space<hbm>> -> memref<32x1024xf32, #tpu.memory_space<hbm>>
      %dma_wait3A_140 = arith.constant 0 : i32
      %dma_wait3A_141 = tpu.memref_slice %arg4[%multiple_of3A, %dma_wait3A_140] : memref<32768x1024xf32, #tpu.memory_space<hbm>> -> memref<32x1024xf32, #tpu.memory_space<hbm>>
      tpu.wait_dma2 semaphore(%arg11 : memref<!tpu.dma_semaphore, #tpu.memory_space<semaphore_mem>>) src(%arg7 : memref<32x1024xf32, #tpu.memory_space<vmem>>) dst(%dma_wait3A_141 : memref<32x1024xf32, #tpu.memory_space<hbm>>)
      %add3A_142 = arith.constant 1 : i32
      %add3A_143 = arith.addi %add3A_137, %add3A_142 : i32
      %mul3A_144 = arith.constant 32 : i32
      %mul3A_145 = arith.muli %add3A_143, %mul3A_144 : i32
      %multiple_of3A_146 = tpu.assume_multiple %mul3A_145, 8 : i32
      %dma_start3A_147 = tpu.memref_slice %arg5[%multiple_of3A_146] : memref<1024xi32, #tpu.memory_space<vmem>> -> memref<32xi32, #tpu.memory_space<vmem>>
      %dma_start3A_148 = arith.constant 0 : i32
      %dma_start3A_149 = arith.constant 0 : i32
      %dma_start3A_150 = tpu.memref_slice %arg2[%dma_start3A_148, %dma_start3A_149] : memref<8192x1024xf32, #tpu.memory_space<hbm>> -> memref<8192x1024xf32, #tpu.memory_space<hbm>>
      tpu.enqueue_indirect_dma source(%dma_start3A_150 : memref<8192x1024xf32, #tpu.memory_space<hbm>>) target(%arg7 : memref<32x1024xf32, #tpu.memory_space<vmem>>) offsets(%dma_start3A_147 : memref<32xi32, #tpu.memory_space<vmem>>) semaphore(%arg9 : memref<!tpu.dma_semaphore, #tpu.memory_space<semaphore_mem>>)
      %dma_wait3A_151 = arith.constant 0 : i32
      %dma_wait3A_152 = arith.constant 0 : i32
      %dma_wait3A_153 = tpu.memref_slice %arg2[%dma_wait3A_151, %dma_wait3A_152] : memref<8192x1024xf32, #tpu.memory_space<hbm>> -> memref<32x1024xf32, #tpu.memory_space<hbm>>
      %dma_wait3A_154 = arith.constant 0 : i32
      %dma_wait3A_155 = arith.constant 0 : i32
      %dma_wait3A_156 = tpu.memref_slice %arg2[%dma_wait3A_154, %dma_wait3A_155] : memref<8192x1024xf32, #tpu.memory_space<hbm>> -> memref<32x1024xf32, #tpu.memory_space<hbm>>
      tpu.wait_dma2 semaphore(%arg8 : memref<!tpu.dma_semaphore, #tpu.memory_space<semaphore_mem>>) src(%dma_wait3A_156 : memref<32x1024xf32, #tpu.memory_space<hbm>>) dst(%arg6 : memref<32x1024xf32, #tpu.memory_space<vmem>>)
      %mul3A_157 = arith.constant 32 : i32
      %mul3A_158 = arith.muli %add3A_137, %mul3A_157 : i32
      %add3A_159 = arith.addi %multiple_of3A, %mul3A_158 : i32
      %multiple_of3A_160 = tpu.assume_multiple %add3A_159, 8 : i32
      %dma_start3A_161 = arith.constant 0 : i32
      %dma_start3A_162 = tpu.memref_slice %arg4[%multiple_of3A_160, %dma_start3A_161] : memref<32768x1024xf32, #tpu.memory_space<hbm>> -> memref<32x1024xf32, #tpu.memory_space<hbm>>
      %dma_start3A_163 = arith.constant 0 : i32
      %dma_start3A_164 = tpu.memref_slice %arg4[%multiple_of3A_160, %dma_start3A_163] : memref<32768x1024xf32, #tpu.memory_space<hbm>> -> memref<32x1024xf32, #tpu.memory_space<hbm>>
      tpu.enqueue_dma source(%arg6 : memref<32x1024xf32, #tpu.memory_space<vmem>>) target(%dma_start3A_164 : memref<32x1024xf32, #tpu.memory_space<hbm>>) target_semaphore(%arg10 : memref<!tpu.dma_semaphore, #tpu.memory_space<semaphore_mem>>)
      %mul3A_165 = arith.constant 2 : i32
      %mul3A_166 = arith.muli %scan3A_131, %mul3A_165 : i32
      %add3A_167 = arith.constant 2 : i32
      %add3A_168 = arith.addi %add3A_167, %mul3A_166 : i32
      %add3A_169 = arith.constant 1 : i32
      %add3A_170 = arith.addi %add3A_168, %add3A_169 : i32
      %dma_wait3A_171 = arith.constant 0 : i32
      %dma_wait3A_172 = tpu.memref_slice %arg4[%multiple_of3A, %dma_wait3A_171] : memref<32768x1024xf32, #tpu.memory_space<hbm>> -> memref<32x1024xf32, #tpu.memory_space<hbm>>
      %dma_wait3A_173 = arith.constant 0 : i32
      %dma_wait3A_174 = tpu.memref_slice %arg4[%multiple_of3A, %dma_wait3A_173] : memref<32768x1024xf32, #tpu.memory_space<hbm>> -> memref<32x1024xf32, #tpu.memory_space<hbm>>
      tpu.wait_dma2 semaphore(%arg10 : memref<!tpu.dma_semaphore, #tpu.memory_space<semaphore_mem>>) src(%arg6 : memref<32x1024xf32, #tpu.memory_space<vmem>>) dst(%dma_wait3A_174 : memref<32x1024xf32, #tpu.memory_space<hbm>>)
      %add3A_175 = arith.constant 1 : i32
      %add3A_176 = arith.addi %add3A_170, %add3A_175 : i32
      %mul3A_177 = arith.constant 32 : i32
      %mul3A_178 = arith.muli %add3A_176, %mul3A_177 : i32
      %multiple_of3A_179 = tpu.assume_multiple %mul3A_178, 8 : i32
      %dma_start3A_180 = tpu.memref_slice %arg5[%multiple_of3A_179] : memref<1024xi32, #tpu.memory_space<vmem>> -> memref<32xi32, #tpu.memory_space<vmem>>
      %dma_start3A_181 = arith.constant 0 : i32
      %dma_start3A_182 = arith.constant 0 : i32
      %dma_start3A_183 = tpu.memref_slice %arg2[%dma_start3A_181, %dma_start3A_182] : memref<8192x1024xf32, #tpu.memory_space<hbm>> -> memref<8192x1024xf32, #tpu.memory_space<hbm>>
      tpu.enqueue_indirect_dma source(%dma_start3A_183 : memref<8192x1024xf32, #tpu.memory_space<hbm>>) target(%arg6 : memref<32x1024xf32, #tpu.memory_space<vmem>>) offsets(%dma_start3A_180 : memref<32xi32, #tpu.memory_space<vmem>>) semaphore(%arg8 : memref<!tpu.dma_semaphore, #tpu.memory_space<semaphore_mem>>)
      %dma_wait3A_184 = arith.constant 0 : i32
      %dma_wait3A_185 = arith.constant 0 : i32
      %dma_wait3A_186 = tpu.memref_slice %arg2[%dma_wait3A_184, %dma_wait3A_185] : memref<8192x1024xf32, #tpu.memory_space<hbm>> -> memref<32x1024xf32, #tpu.memory_space<hbm>>
      %dma_wait3A_187 = arith.constant 0 : i32
      %dma_wait3A_188 = arith.constant 0 : i32
      %dma_wait3A_189 = tpu.memref_slice %arg2[%dma_wait3A_187, %dma_wait3A_188] : memref<8192x1024xf32, #tpu.memory_space<hbm>> -> memref<32x1024xf32, #tpu.memory_space<hbm>>
      tpu.wait_dma2 semaphore(%arg9 : memref<!tpu.dma_semaphore, #tpu.memory_space<semaphore_mem>>) src(%dma_wait3A_189 : memref<32x1024xf32, #tpu.memory_space<hbm>>) dst(%arg7 : memref<32x1024xf32, #tpu.memory_space<vmem>>)
      %mul3A_190 = arith.constant 32 : i32
      %mul3A_191 = arith.muli %add3A_170, %mul3A_190 : i32
      %add3A_192 = arith.addi %multiple_of3A, %mul3A_191 : i32
      %multiple_of3A_193 = tpu.assume_multiple %add3A_192, 8 : i32
      %dma_start3A_194 = arith.constant 0 : i32
      %dma_start3A_195 = tpu.memref_slice %arg4[%multiple_of3A_193, %dma_start3A_194] : memref<32768x1024xf32, #tpu.memory_space<hbm>> -> memref<32x1024xf32, #tpu.memory_space<hbm>>
      %dma_start3A_196 = arith.constant 0 : i32
      %dma_start3A_197 = tpu.memref_slice %arg4[%multiple_of3A_193, %dma_start3A_196] : memref<32768x1024xf32, #tpu.memory_space<hbm>> -> memref<32x1024xf32, #tpu.memory_space<hbm>>
      tpu.enqueue_dma source(%arg7 : memref<32x1024xf32, #tpu.memory_space<vmem>>) target(%dma_start3A_197 : memref<32x1024xf32, #tpu.memory_space<hbm>>) target_semaphore(%arg11 : memref<!tpu.dma_semaphore, #tpu.memory_space<semaphore_mem>>)
    }
    %scan3A_86 = arith.constant 14 : i32
    %dma_wait3A_87 = arith.constant 0 : i32
    %dma_wait3A_88 = tpu.memref_slice %arg4[%multiple_of3A, %dma_wait3A_87] : memref<32768x1024xf32, #tpu.memory_space<hbm>> -> memref<32x1024xf32, #tpu.memory_space<hbm>>
    %dma_wait3A_89 = arith.constant 0 : i32
    %dma_wait3A_90 = tpu.memref_slice %arg4[%multiple_of3A, %dma_wait3A_89] : memref<32768x1024xf32, #tpu.memory_space<hbm>> -> memref<32x1024xf32, #tpu.memory_space<hbm>>
    tpu.wait_dma2 semaphore(%arg11 : memref<!tpu.dma_semaphore, #tpu.memory_space<semaphore_mem>>) src(%arg7 : memref<32x1024xf32, #tpu.memory_space<vmem>>) dst(%dma_wait3A_90 : memref<32x1024xf32, #tpu.memory_space<hbm>>)
    %multiple_of3A_91 = arith.constant 992 : i32
    %multiple_of3A_92 = tpu.assume_multiple %multiple_of3A_91, 8 : i32
    %dma_start3A_93 = tpu.memref_slice %arg5[%multiple_of3A_92] : memref<1024xi32, #tpu.memory_space<vmem>> -> memref<32xi32, #tpu.memory_space<vmem>>
    %dma_start3A_94 = arith.constant 0 : i32
    %dma_start3A_95 = arith.constant 0 : i32
    %dma_start3A_96 = tpu.memref_slice %arg2[%dma_start3A_94, %dma_start3A_95] : memref<8192x1024xf32, #tpu.memory_space<hbm>> -> memref<8192x1024xf32, #tpu.memory_space<hbm>>
    tpu.enqueue_indirect_dma source(%dma_start3A_96 : memref<8192x1024xf32, #tpu.memory_space<hbm>>) target(%arg7 : memref<32x1024xf32, #tpu.memory_space<vmem>>) offsets(%dma_start3A_93 : memref<32xi32, #tpu.memory_space<vmem>>) semaphore(%arg9 : memref<!tpu.dma_semaphore, #tpu.memory_space<semaphore_mem>>)
    %dma_wait3A_97 = arith.constant 0 : i32
    %dma_wait3A_98 = arith.constant 0 : i32
    %dma_wait3A_99 = tpu.memref_slice %arg2[%dma_wait3A_97, %dma_wait3A_98] : memref<8192x1024xf32, #tpu.memory_space<hbm>> -> memref<32x1024xf32, #tpu.memory_space<hbm>>
    %dma_wait3A_100 = arith.constant 0 : i32
    %dma_wait3A_101 = arith.constant 0 : i32
    %dma_wait3A_102 = tpu.memref_slice %arg2[%dma_wait3A_100, %dma_wait3A_101] : memref<8192x1024xf32, #tpu.memory_space<hbm>> -> memref<32x1024xf32, #tpu.memory_space<hbm>>
    tpu.wait_dma2 semaphore(%arg8 : memref<!tpu.dma_semaphore, #tpu.memory_space<semaphore_mem>>) src(%dma_wait3A_102 : memref<32x1024xf32, #tpu.memory_space<hbm>>) dst(%arg6 : memref<32x1024xf32, #tpu.memory_space<vmem>>)
    %add3A_103 = arith.constant 960 : i32
    %add3A_104 = arith.addi %multiple_of3A, %add3A_103 : i32
    %multiple_of3A_105 = tpu.assume_multiple %add3A_104, 8 : i32
    %dma_start3A_106 = arith.constant 0 : i32
    %dma_start3A_107 = tpu.memref_slice %arg4[%multiple_of3A_105, %dma_start3A_106] : memref<32768x1024xf32, #tpu.memory_space<hbm>> -> memref<32x1024xf32, #tpu.memory_space<hbm>>
    %dma_start3A_108 = arith.constant 0 : i32
    %dma_start3A_109 = tpu.memref_slice %arg4[%multiple_of3A_105, %dma_start3A_108] : memref<32768x1024xf32, #tpu.memory_space<hbm>> -> memref<32x1024xf32, #tpu.memory_space<hbm>>
    tpu.enqueue_dma source(%arg6 : memref<32x1024xf32, #tpu.memory_space<vmem>>) target(%dma_start3A_109 : memref<32x1024xf32, #tpu.memory_space<hbm>>) target_semaphore(%arg10 : memref<!tpu.dma_semaphore, #tpu.memory_space<semaphore_mem>>)
    %dma_wait3A_110 = arith.constant 0 : i32
    %dma_wait3A_111 = arith.constant 0 : i32
    %dma_wait3A_112 = tpu.memref_slice %arg2[%dma_wait3A_110, %dma_wait3A_111] : memref<8192x1024xf32, #tpu.memory_space<hbm>> -> memref<32x1024xf32, #tpu.memory_space<hbm>>
    %dma_wait3A_113 = arith.constant 0 : i32
    %dma_wait3A_114 = arith.constant 0 : i32
    %dma_wait3A_115 = tpu.memref_slice %arg2[%dma_wait3A_113, %dma_wait3A_114] : memref<8192x1024xf32, #tpu.memory_space<hbm>> -> memref<32x1024xf32, #tpu.memory_space<hbm>>
    tpu.wait_dma2 semaphore(%arg9 : memref<!tpu.dma_semaphore, #tpu.memory_space<semaphore_mem>>) src(%dma_wait3A_115 : memref<32x1024xf32, #tpu.memory_space<hbm>>) dst(%arg7 : memref<32x1024xf32, #tpu.memory_space<vmem>>)
    %add3A_116 = arith.constant 992 : i32
    %add3A_117 = arith.addi %multiple_of3A, %add3A_116 : i32
    %multiple_of3A_118 = tpu.assume_multiple %add3A_117, 8 : i32
    %dma_start3A_119 = arith.constant 0 : i32
    %dma_start3A_120 = tpu.memref_slice %arg4[%multiple_of3A_118, %dma_start3A_119] : memref<32768x1024xf32, #tpu.memory_space<hbm>> -> memref<32x1024xf32, #tpu.memory_space<hbm>>
    %dma_start3A_121 = arith.constant 0 : i32
    %dma_start3A_122 = tpu.memref_slice %arg4[%multiple_of3A_118, %dma_start3A_121] : memref<32768x1024xf32, #tpu.memory_space<hbm>> -> memref<32x1024xf32, #tpu.memory_space<hbm>>
    tpu.enqueue_dma source(%arg7 : memref<32x1024xf32, #tpu.memory_space<vmem>>) target(%dma_start3A_122 : memref<32x1024xf32, #tpu.memory_space<hbm>>) target_semaphore(%arg11 : memref<!tpu.dma_semaphore, #tpu.memory_space<semaphore_mem>>)
    %dma_wait3A_123 = arith.constant 0 : i32
    %dma_wait3A_124 = tpu.memref_slice %arg4[%multiple_of3A, %dma_wait3A_123] : memref<32768x1024xf32, #tpu.memory_space<hbm>> -> memref<32x1024xf32, #tpu.memory_space<hbm>>
    %dma_wait3A_125 = arith.constant 0 : i32
    %dma_wait3A_126 = tpu.memref_slice %arg4[%multiple_of3A, %dma_wait3A_125] : memref<32768x1024xf32, #tpu.memory_space<hbm>> -> memref<32x1024xf32, #tpu.memory_space<hbm>>
    tpu.wait_dma2 semaphore(%arg10 : memref<!tpu.dma_semaphore, #tpu.memory_space<semaphore_mem>>) src(%arg6 : memref<32x1024xf32, #tpu.memory_space<vmem>>) dst(%dma_wait3A_126 : memref<32x1024xf32, #tpu.memory_space<hbm>>)
    %dma_wait3A_127 = arith.constant 0 : i32
    %dma_wait3A_128 = tpu.memref_slice %arg4[%multiple_of3A, %dma_wait3A_127] : memref<32768x1024xf32, #tpu.memory_space<hbm>> -> memref<32x1024xf32, #tpu.memory_space<hbm>>
    %dma_wait3A_129 = arith.constant 0 : i32
    %dma_wait3A_130 = tpu.memref_slice %arg4[%multiple_of3A, %dma_wait3A_129] : memref<32768x1024xf32, #tpu.memory_space<hbm>> -> memref<32x1024xf32, #tpu.memory_space<hbm>>
    tpu.wait_dma2 semaphore(%arg11 : memref<!tpu.dma_semaphore, #tpu.memory_space<semaphore_mem>>) src(%arg7 : memref<32x1024xf32, #tpu.memory_space<vmem>>) dst(%dma_wait3A_130 : memref<32x1024xf32, #tpu.memory_space<hbm>>)
    return
  }
}

</mosaic_0001>

<sc_bundles>
// kernel: _sc_gather.3.cloned.1.call-start
scs
__scs_entry_jumppad:
0x0: {  	(pc) =	sbr.rel $0x88, $3  }
0x1: {  	(tag) =	ssettag $0x0;
	lr =	simm.s32 $0x1  }
0x2: {  	[smem:$0x3F9F] =	sst lr;
	_ =	strace $0xD0000000  }
0x3: {  	_ = 	snop  }
0x4: {  	_ = 	snop  }
0x5: {  	_ = 	snop  }
0x6: {  	_ = 	snop  }
0x7: {  	_ = 	snop  }
__scs_overlays_trampoline_lowered:
0x8: {  	[smem:$0x3FAE] =	sst s0  }
0x9: {  	[smem:$0x3FAF] =	sst s1  }
0xa: {  	[smem:$0x3FB0] =	sst s2  }
0xb: {  	[smem:$0x3FB1] =	sst s3  }
0xc: {  	[smem:$0x3FB2] =	sst s4  }
0xd: {  	[smem:$0x3FB3] =	sst s5  }
0xe: {  	[smem:$0x3FB4] =	sst s6  }
0xf: {  	[smem:$0x3FB5] =	sst s7  }
0x10: {  	[smem:$0x3FB6] =	sst s8  }
0x11: {  	[smem:$0x3FB7] =	sst s9;
	s0 =	simm.s32 @!p0 $0x0  }
0x12: {  	s1 =	sld [smem:$0x3F9D];
	s0 =	simm.s32 @p0 $0x1  }
0x13: {  	[smem:$0x3FB8] =	sst s0;
	s0 =	simm.s32 @!p1 $0x0  }
0x14: {  	s2 =	sld [smem:$0x3F9C];
	s0 =	simm.s32 @p1 $0x1  }
0x15: {  	[smem:$0x3FB9] =	sst s0;
	s0 =	simm.s32 @!p2 $0x0  }
0x16: {  	s3 =	sld [smem:$0x3FDB];
	s0 =	simm.s32 @p2 $0x1  }
0x17: {  	s4 =	simm.s32 $0x1BF5;
	[smem:$0x3FBB] =	sst s0  }
0x18: {  	s0 =	sld [smem:$0x3F9E];
	_ =	swait.ge [sflag:s4], $0x0  }
0x19: {  	s7 =	sld [smem:$0x3F9F]  }
0x1a: {  	s8 =	sadd.s32 $0xFFFFE003, lr  }
0x1b: {  	s9 =	sadd.s32 $0xFFFFFEF7, lr;
	s5 =	simm.s32 $0xFFFFFFFF;
	p2 =	slt.u32 s8, $0xFFFFF086  }
0x1c: {  	p1 =	slt.u32 s9, $0xF7A;
	s5 =	simm.s32 @!p2 $0x0  }
0x1d: {  	s5 =	simm.s32 @p1 $0x1;
	p0 =	seq.s32 s7, s2  }
0x1e: {  	s7 =	smul.u32 @!p0 $0xF7A, s2;
	p2 =	seq.s32 @!p0 s5, $0x0  }
0x1f: {  	s9 =	smul.u32 $0xF7A, s1;
	s8 =	simm.s32 @!p0 $0x1BF5;
	p2 =	por !p2, p0  }
0x20: {  	[sflag:s8] =	ssyncset.s32 @!p0 $0xFFFFF086;
	s6 =	sadd.s32 @!p0 s3, s7;
	s7 =	simm.s32 @!p0 $0x108  }
0x21: {  	s3 =	sadd.s32 s3, s9;
	s6 =	sadd.s32 @!p0 $0x88, s6;
	s7 =	simm.s32 @p2 $0x1082  }
0x22: {  	[simem:s7], [sflag:s8] =	dma.local @!p0 [hbm:s6], $0xF7A  }
0x23: {  	s9 =	sor.u32 $0xD0000000, s2;
	s6 =	simm.s32 $0x108;
	_ =	swait.ge @!p0 [sflag:s8], $0x0  }
0x24: {  	s3 =	sadd.s32 $0x88, s3;
	s6 =	simm.s32 @!p1 $0x1082;
	[sflag:s4] =	ssyncset.s32 $0xFFFFF086  }
0x25: {  	[simem:s6], [sflag:s4] =	dma.local [hbm:s3], $0xF7A  }
0x26: {  	[smem:$0x3F9F] =	sst s1;
	(tag) =	ssettag s2;
	_ =	strace s9  }
0x27: {  	s1 =	sld [smem:$0x3FAF]  }
0x28: {  	s2 =	sld [smem:$0x3FB0]  }
0x29: {  	s4 =	sld [smem:$0x3FB2]  }
0x2a: {  	p0 =	seq.s32 s5, $0x0;
	s5 =	sld [smem:$0x3FB3]  }
0x2b: {  	s6 =	sld [smem:$0x3FB4]  }
0x2c: {  	s7 =	sld [smem:$0x3FB5]  }
0x2d: {  	s3 =	simm.s32 $0x108;
	s8 =	sld [smem:$0x3FB6]  }
0x2e: {  	s3 =	simm.s32 @!p0 $0x1082;
	s9 =	sld [smem:$0x3FB7]  }
0x2f: {  	lr =	sadd.s32 s0, s3;
	s0 =	sld [smem:$0x3FAE]  }
0x30: {  	s3 =	sld [smem:$0x3FB1]  }
0x31: {  	[smem:$0x3FBA] =	sst s10  }
0x32: {  	s10 =	sld [smem:$0x3FB8];
	_ =	sdelay $0x3  }
0x33: {  	p0 =	seq.s32 s10, $0x1;
	s10 =	sld [smem:$0x3FBA];
	_ =	sdelay $0x3  }
0x34: {  	[smem:$0x3FBA] =	sst s10  }
0x35: {  	s10 =	sld [smem:$0x3FB9];
	_ =	sdelay $0x3  }
0x36: {  	p1 =	seq.s32 s10, $0x1;
	s10 =	sld [smem:$0x3FBA];
	_ =	sdelay $0x3  }
0x37: {  	[smem:$0x3FBA] =	sst s10  }
0x38: {  	s10 =	sld [smem:$0x3FBB]  }
0x39: {  	_ = 	snop;
	(pc) =	sbr.ind lr, $3  }
0x3a: {  	_ = 	snop  }
0x3b: {  	_ = 	snop  }
0x3c: {  	p2 =	seq.s32 s10, $0x1;
	s10 =	sld [smem:$0x3FBA]  }
0x3d: {  	_ =	shalt  }
0x3e: {  	_ =	shalt  }
0x3f: {  	_ =	shalt  }
0x40: {  	_ =	shalt  }
0x41: {  	_ =	shalt  }
0x42: {  	_ =	shalt  }
0x43: {  	_ =	shalt  }
0x44: {  	_ =	shalt  }
0x45: {  	_ =	shalt  }
0x46: {  	_ =	shalt  }
0x47: {  	_ =	shalt  }
0x48: {  	_ =	shalt  }
0x49: {  	_ =	shalt  }
0x4a: {  	_ =	shalt  }
0x4b: {  	_ =	shalt  }
0x4c: {  	_ =	shalt  }
0x4d: {  	_ =	shalt  }
0x4e: {  	_ =	shalt  }
0x4f: {  	_ =	shalt  }
0x50: {  	_ =	shalt  }
0x51: {  	_ =	shalt  }
0x52: {  	_ =	shalt  }
0x53: {  	_ =	shalt  }
0x54: {  	_ =	shalt  }
0x55: {  	_ =	shalt  }
0x56: {  	_ =	shalt  }
0x57: {  	_ =	shalt  }
0x58: {  	_ =	shalt  }
0x59: {  	_ =	shalt  }
0x5a: {  	_ =	shalt  }
0x5b: {  	_ =	shalt  }
0x5c: {  	_ =	shalt  }
0x5d: {  	_ =	shalt  }
0x5e: {  	_ =	shalt  }
0x5f: {  	_ =	shalt  }
0x60: {  	_ =	shalt  }
0x61: {  	_ =	shalt  }
0x62: {  	_ =	shalt  }
0x63: {  	_ =	shalt  }
0x64: {  	_ =	shalt  }
0x65: {  	_ =	shalt  }
0x66: {  	_ =	shalt  }
0x67: {  	_ =	shalt  }
0x68: {  	_ =	shalt  }
0x69: {  	_ =	shalt  }
0x6a: {  	_ =	shalt  }
0x6b: {  	_ =	shalt  }
0x6c: {  	_ =	shalt  }
0x6d: {  	_ =	shalt  }
0x6e: {  	_ =	shalt  }
0x6f: {  	_ =	shalt  }
0x70: {  	_ =	shalt  }
0x71: {  	_ =	shalt  }
0x72: {  	_ =	shalt  }
0x73: {  	_ =	shalt  }
0x74: {  	_ =	shalt  }
0x75: {  	_ =	shalt  }
0x76: {  	_ =	shalt  }
0x77: {  	_ =	shalt  }
0x78: {  	_ =	shalt  }
0x79: {  	_ =	shalt  }
0x7a: {  	_ =	shalt  }
0x7b: {  	_ =	shalt  }
0x7c: {  	_ =	shalt  }
0x7d: {  	_ =	shalt  }
0x7e: {  	_ =	shalt  }
0x7f: {  	_ =	shalt  }
0x80: {  	_ =	shalt  }
0x81: {  	_ =	shalt  }
0x82: {  	_ =	shalt  }
0x83: {  	_ =	shalt  }
0x84: {  	_ =	shalt  }
0x85: {  	_ =	shalt  }
0x86: {  	_ =	shalt  }
0x87: {  	_ =	shalt  }
.Lfunc_end0:
.L_simem_size_0:
called_computation_lowered:
.L_overlay_start_0:
0x88: {  	s2 =	sld [smem:$0x3FD9]  }
0x89: {  	s3 =	sld [smem:$0x3FFE];
	_ =	sdelay $0x1  }
0x8a: {  	s1 =	srdreg.scid  }
0x8b: {  	s0 =	sand.u32 $0x1, s1  }
0x8c: {  	s18 =	sshll.u32 s0, $0xA;
	s2 =	sadd.s32 s3, s2  }
0x8d: {  	s2 =	sadd.s32 s2, s18  }
0x8e: {  	[smem:$0x3FC6] =	sst s2  }
0x8f: {  	_ = 	snop  }
0x90: {  	s2 =	sld [smem:$0x3FC9]  }
0x91: {  	s19 =	sld [smem:$0x3FC8]  }
0x92: {  	s4 =	sld [smem:$0x3FD0];
	(tm) =	ssettm $0x1  }
0x93: {  	s5 =	sld [smem:$0x3FFB];
	_ =	sdelay $0x3  }
0x94: {  	_ =	strace s5  }
0x95: {  	s5 =	sld [smem:$0x3FFC];
	_ =	sdelay $0x3  }
0x96: {  	_ =	strace s5  }
0x97: {  	s5 =	sld [smem:$0x3FFD];
	_ =	sdelay $0x3  }
0x98: {  	_ =	strace s5  }
0x99: {  	_ =	strace $0x8FFFFFFF  }
0x9a: {  	s20 =	sld [smem:$0x3FDB];
	_ =	sdelay $0x1  }
0x9b: {  	s6 =	simm.s32 $_scs_section_size  }
0x9c: {  	s7 =	simm.s32 $_size__tile_overlayer_lowered;
	s8 =	simm.s32 $_tile_overlayer_lowered  }
0x9d: {  	s23 =	simm.s32 $0x1BFF;
	s22 =	sshll.u32 s8, $0x1;
	s5 =	sadd.s32 s6, s20  }
0x9e: {  	s9 =	simm.s32 $0x0;
	s21 =	sshll.u32 s7, $0x1;
	s7 =	sadd.s32 s22, s5  }
0x9f: {  	[timem:s9], [sflag:s23] =	dma.local [hbm:s7], s21  }
0xa0: {  	_ =	swait.ge [sflag:s23], s21  }
0xa1: {  	s6 =	ssub.s32 $0x0, s21;
	[sflag:s23] =	ssyncset.done $0x0  }
0xa2: {  	[sflag:s23] =	ssyncadd.s32 s6;
	_ =	sdelay $0x1  }
0xa3: {  	s24 =	simm.s32 $0x1B8B  }
0xa4: {  	_ =	swait.ge [sflag:s24], $0x1  }
0xa5: {  	[sflag:s24] =	ssyncset.done $0x0  }
0xa6: {  	s25 =	simm.s32 $0x1B8E;
	[sflag:s24] =	ssyncadd.s32 $0xFFFFFFFF  }
0xa7: {  	s26 =	simm.s32 $execute0_lowered;
	[smem:$0x3FD2] =	sst s25  }
0xa8: {  	s6 =	sshll.u32 s26, $0x1;
	_ =	strace $0x80000046;
	[dreg:$0x1] =	wrdreg $0xFFFFFFFF  }
0xa9: {  	s28 =	simm.s32 $_size_execute0_lowered;
	s5 =	sadd.s32 s5, s6;
	[dreg:$0x0] =	wrdreg $0x0  }
0xaa: {  	s6 =	sshll.u32 s28, $0x1;
	[dreg:$0x2] =	wrdreg s5  }
0xab: {  	[dreg:$0x3] =	wrdreg s6  }
0xac: {  	[dreg:$0x4] =	wrdreg $0xC0  }
0xad: {  	_ =	task [dreg:s9], $0x5FFFF  }
0xae: {  	[dreg:$0x1] =	wrdreg $0xFFFFFFFF  }
0xaf: {  	[dreg:$0x0] =	wrdreg $0x60  }
0xb0: {  	[dreg:$0x2] =	wrdreg s2  }
0xb1: {  	[dreg:$0x3] =	wrdreg s19  }
0xb2: {  	[dreg:$0x4] =	wrdreg s4  }
0xb3: {  	[dreg:$0x5] =	wrdreg $0x9  }
0xb4: {  	_ =	task.clear_ibuf [dreg:s9], $0x6FFFF;
	_ =	strace $0x90000046  }
0xb5: {  	s29 =	simm.s32 $0x9;
	_ =	strace $0x80000048  }
0xb6: {  	_ =	swait.ge [sflag:s29], $0x1  }
0xb7: {  	[sflag:s29] =	ssyncadd.s32 $0xFFFFFFFF  }
0xb8: {  	_ =	strace $0x90000048  }
0xb9: {  	_ =	sfence  }
0xba: {  	s30 =	sld [smem:$0x0];
	_ =	sdelay $0x2  }
0xbb: {  	s31 =	sshll.u32 s1, $0xD;
	s1 =	sshrl.u32 s1, $0x2  }
0xbc: {  	s3 =	sand.u32 $0x4000, s31;
	s1 =	sadd.s32 s1, s30  }
0xbd: {  	s0 =	sor.u32 s3, s0;
	s1 =	sshll.u32 s1, $0x11  }
0xbe: {  	s0 =	sor.u32 s1, s0  }
0xbf: {  	s0 =	sadd.s32 $0x8F2B, s0  }
0xc0: {  	[sflag:s0] =	ssyncadd.remote.s32 $0x1  }
0xc1: {  	_ =	sfence.sel $0xFFFF  }
0xc2: {  	[dreg:$0x0] =	wrdreg $0xFFFFFFFF;
	(pc) =	sbr.abs _section_cstart, $3  }
0xc3: {  	[dreg:$0x1] =	wrdreg $0xFFFFFFFF  }
0xc4: {  	_ =	task.clear_ibuf [dreg:s9], $0x2FFFF;
	_ =	strace $0x9FFFFFFF  }
0xc5: {  	(tm) =	ssettm $0x7FFFFFFF  }
tec
execute0_lowered:
.L_overlay_start_1:
0x0: {  	(tag) =	ssettag $0x1  }
0x1: {  	s1 =	rddreg [dreg:$0x0]  }
0x2: {  	s0 =	rddreg [dreg:$0x1]  }
0x3: {  	s2 =	rddreg [dreg:$0x2]  }
0x4: {  	s4 =	srdreg.scid;
	s10 =	stileid.u32;
	s3 =	simm.s32 $0x0  }
0x5: {  	s16 =	simm.s32 $0x400;
	s31 =	simm.s32 $0xC00;
	s13 =	simm.s32 $0x1C00  }
0x6: {  	s14 =	simm.s32 $0x2400;
	s11 =	simm.s32 $0x4400;
	s12 =	simm.s32 $0x4C00  }
0x7: {  	s15 =	simm.s32 $0x5C00;
	s17 =	simm.s32 $0x6400;
	s18 =	simm.s32 $0x6C00  }
0x8: {  	s19 =	simm.s32 $0x7400;
	s20 =	simm.s32 $0x7C00;
	s4 =	sand.u32 $0x1, s4  }
0x9: {  	s5 =	sshll.u32 s10, $0x1;
	[smem:$0x7FF] =	sst s3;
	s21 =	sshll.u32 s10, $0x2  }
0xa: {  	s24 =	sshll.u32 s10, $0x12;
	s10 =	simm.s32 $0x3C00;
	s7 =	sor.u32 s4, s5  }
0xb: {  	s6 =	ssub.s32 $0x2, s4;
	s5 =	sand.u32 $0x30, s21;
	_ =	strace $0x80000047  }
0xc: {  	s26 =	sshll.u32 s4, $0x11;
	s21 =	simm.s32 $0xF400;
	s4 =	simm.s32 $0x2C00  }
0xd: {  	s8 =	sshll.u32 s7, $0x9;
	s9 =	sshrl.u32 s6, $0x1;
	s0 =	sadd.s32 s0, s5  }
0xe: {  	s5 =	sadd.s32 $0x100, s1;
	s22 =	sshll.u32 s7, $0x11;
	s7 =	sadd.s32 $0x300, s1  }
0xf: {  	s8 =	sand.u32 $0xE00, s8;
	s9 =	ssub.s32 s6, s9;
	s23 =	sadd.s32 s2, s22  }
0x10: {  	s6 =	sadd.s32 $0x200, s1;
	s0 =	sadd.s32 s8, s0;
	[dreg:$0x6] =	wrdreg s23  }
0x11: {  	s22 =	simm.s32 $0xFC00;
	s25 =	sadd.s32 $0x1000, s23;
	[dreg:$0x5] =	wrdreg s0  }
0x12: {  	s28 =	sadd.s32 $0x1E000, s23;
	s29 =	sadd.s32 $0x1F000, s23;
	[dreg:$0x7] =	wrdreg s25  }
0x13: {  	s30 =	smax.u32 s9, $0x1;
	s23 =	simm.s32 $0x1;
	[dreg:$0x8] =	wrdreg s28  }
0x14: {  	s9 =	simm.s32 $0x3400;
	s8 =	simm.s32 $0x5400;
	[dreg:$0x9] =	wrdreg s29  }
0x15: {  	v2 =	vlaneseq.u32;
	s0 =	sadd.s32 s24, s2;
	[dreg:$0xa] =	wrdreg s30;
	s2 =	simm.s32 $0x8400  }
0x16: {  	vm0 =	vmmov $0xffff;
	v1 =	vshrl.u32 v2, $0x3;
	s24 =	simm.s32 $0x3;
	s25 =	simm.s32 $0x2;
	s0 =	sadd.s32 s26, s0  }
0x17: {  	v0 =	vand.u32 $0x7, v2;
	v2 =	vor.u32 $0x8, v2;
	v1 =	vmul.u32 $0x8, v1;
	s26 =	simm.s32 $0x4;
	[dreg:$0x4] =	wrdreg s0;
	s0 =	simm.s32 $0x0  }
.LBB2_1:
0x18: {  	s28 =	rddreg [dreg:$0x5];
	s29 =	simm.s32 $0x80;
	s30 =	simm.s32 $0x200  }
0x19: {  	[tilespmem:s3], [sflag:$0x5] =	stream.strided.gather [hbm4b:s28+s29], $0x400, s30, s29, $0x38;
	[tilespmem:$0x10400] =	vst v63  }
0x1a: {  	[dreg:$0xb] =	wrdreg s0;
	s28 =	simm.s32 $0x5  }
0x1b: {  	_ =	swait.ge [sflag:s28], $0x400  }
0x1c: {  	[sflag:s28] =	ssyncset.done $0x0  }
0x1d: {  	[sflag:s28] =	ssyncadd.s32 $0xFFFFFC00  }
0x1e: {  	v3 =	vld [tilespmem:$0x0];
	_ =	sdelay $0x4  }
0x1f: {  	v4 =	vshll.u32 v3, $0x3  }
0x20: {  	v3 =	vand.u32 $0x7, v3;
	v4 =	vand.u32 $0xFFFFFFC0, v4  }
0x21: {  	v3 =	vor.u32 v3, v4  }
0x22: {  	v4 =	vperm.xlane v3, v0;
	_ =	sdelay $0x1  }
0x23: {  	v4 =	vadd.s32 v1, v4;
	_ =	sdelay $0x4  }
0x24: {  	[tilespmem:s16], [sflag:$0x1] =	stream.indirect_vreg.gather [hbm4b:s1+s3], $0x80, v4, vm0, $0xb8;
	[tilespmem:$0x10400] =	vst v63  }
0x25: {  	v3 =	vperm.xlane v3, v2  }
0x26: {  	[tilespmem:s31], [sflag:$0x1] =	stream.indirect_vreg.gather [hbm4b:s5+s3], $0x80, v4, vm0, $0xb8;
	[tilespmem:$0x10400] =	vst v63  }
0x27: {  	s0 =	simm.s32 $0x1400;
	v3 =	vadd.s32 v1, v3  }
0x28: {  	[tilespmem:s0], [sflag:$0x1] =	stream.indirect_vreg.gather [hbm4b:s6+s3], $0x80, v4, vm0, $0xb8;
	[tilespmem:$0x10400] =	vst v63  }
0x29: {  	_ = 	snop  }
0x2a: {  	[tilespmem:s13], [sflag:$0x1] =	stream.indirect_vreg.gather [hbm4b:s7+s3], $0x80, v4, vm0, $0xb8;
	[tilespmem:$0x10400] =	vst v63  }
0x2b: {  	_ = 	snop  }
0x2c: {  	[tilespmem:s14], [sflag:$0x1] =	stream.indirect_vreg.gather [hbm4b:s1+s3], $0x80, v3, vm0, $0xb8;
	[tilespmem:$0x10400] =	vst v63  }
0x2d: {  	_ = 	snop  }
0x2e: {  	[tilespmem:s4], [sflag:$0x1] =	stream.indirect_vreg.gather [hbm4b:s5+s3], $0x80, v3, vm0, $0xb8;
	[tilespmem:$0x10400] =	vst v63  }
0x2f: {  	_ = 	snop  }
0x30: {  	[tilespmem:s9], [sflag:$0x1] =	stream.indirect_vreg.gather [hbm4b:s6+s3], $0x80, v3, vm0, $0xb8;
	[tilespmem:$0x10400] =	vst v63  }
0x31: {  	_ = 	snop  }
0x32: {  	[tilespmem:s10], [sflag:$0x1] =	stream.indirect_vreg.gather [hbm4b:s7+s3], $0x80, v3, vm0, $0xb8;
	[tilespmem:$0x10400] =	vst v63  }
0x33: {  	v3 =	vld [tilespmem:$0x10];
	_ =	sdelay $0x4  }
0x34: {  	v59 =	vshll.u32 v3, $0x3  }
0x35: {  	v3 =	vand.u32 $0x7, v3;
	v4 =	vand.u32 $0xFFFFFFC0, v59  }
0x36: {  	v3 =	vor.u32 v3, v4  }
0x37: {  	v4 =	vperm.xlane v3, v0;
	_ =	sdelay $0x1  }
0x38: {  	v4 =	vadd.s32 v1, v4;
	_ =	sdelay $0x4  }
0x39: {  	[tilespmem:s11], [sflag:$0x1] =	stream.indirect_vreg.gather [hbm4b:s1+s3], $0x80, v4, vm0, $0xb8;
	[tilespmem:$0x10400] =	vst v63  }
0x3a: {  	v3 =	vperm.xlane v3, v2  }
0x3b: {  	[tilespmem:s12], [sflag:$0x1] =	stream.indirect_vreg.gather [hbm4b:s5+s3], $0x80, v4, vm0, $0xb8;
	[tilespmem:$0x10400] =	vst v63  }
0x3c: {  	v3 =	vadd.s32 v1, v3  }
0x3d: {  	[tilespmem:s8], [sflag:$0x1] =	stream.indirect_vreg.gather [hbm4b:s6+s3], $0x80, v4, vm0, $0xb8;
	[tilespmem:$0x10400] =	vst v63  }
0x3e: {  	_ = 	snop  }
0x3f: {  	[tilespmem:s15], [sflag:$0x1] =	stream.indirect_vreg.gather [hbm4b:s7+s3], $0x80, v4, vm0, $0xb8;
	[tilespmem:$0x10400] =	vst v63  }
0x40: {  	_ = 	snop  }
0x41: {  	[tilespmem:s17], [sflag:$0x1] =	stream.indirect_vreg.gather [hbm4b:s1+s3], $0x80, v3, vm0, $0xb8;
	[tilespmem:$0x10400] =	vst v63  }
0x42: {  	_ = 	snop  }
0x43: {  	[tilespmem:s18], [sflag:$0x1] =	stream.indirect_vreg.gather [hbm4b:s5+s3], $0x80, v3, vm0, $0xb8;
	[tilespmem:$0x10400] =	vst v63  }
0x44: {  	_ = 	snop  }
0x45: {  	[tilespmem:s19], [sflag:$0x1] =	stream.indirect_vreg.gather [hbm4b:s6+s3], $0x80, v3, vm0, $0xb8;
	[tilespmem:$0x10400] =	vst v63  }
0x46: {  	_ = 	snop  }
0x47: {  	[tilespmem:s20], [sflag:$0x1] =	stream.indirect_vreg.gather [hbm4b:s7+s3], $0x80, v3, vm0, $0xb8;
	[tilespmem:$0x10400] =	vst v63  }
0x48: {  	v3 =	vld [tilespmem:$0x20];
	_ =	sdelay $0x4  }
0x49: {  	v60 =	vshll.u32 v3, $0x3  }
0x4a: {  	v3 =	vand.u32 $0x7, v3;
	v4 =	vand.u32 $0xFFFFFFC0, v60  }
0x4b: {  	v3 =	vor.u32 v3, v4  }
0x4c: {  	v4 =	vperm.xlane v3, v0;
	_ =	sdelay $0x1  }
0x4d: {  	v4 =	vadd.s32 v1, v4;
	_ =	sdelay $0x4  }
0x4e: {  	[tilespmem:s2], [sflag:$0x2] =	stream.indirect_vreg.gather [hbm4b:s1+s3], $0x80, v4, vm0, $0xb8;
	[tilespmem:$0x10400] =	vst v63  }
0x4f: {  	s28 =	simm.s32 $0x8C00;
	v3 =	vperm.xlane v3, v2  }
0x50: {  	[tilespmem:s28], [sflag:$0x2] =	stream.indirect_vreg.gather [hbm4b:s5+s3], $0x80, v4, vm0, $0xb8;
	[tilespmem:$0x10400] =	vst v63  }
0x51: {  	v3 =	vadd.s32 v1, v3;
	s28 =	simm.s32 $0x9400  }
0x52: {  	[tilespmem:s28], [sflag:$0x2] =	stream.indirect_vreg.gather [hbm4b:s6+s3], $0x80, v4, vm0, $0xb8;
	[tilespmem:$0x10400] =	vst v63  }
0x53: {  	s28 =	simm.s32 $0x9C00  }
0x54: {  	[tilespmem:s28], [sflag:$0x2] =	stream.indirect_vreg.gather [hbm4b:s7+s3], $0x80, v4, vm0, $0xb8;
	[tilespmem:$0x10400] =	vst v63  }
0x55: {  	s28 =	simm.s32 $0xA400  }
0x56: {  	[tilespmem:s28], [sflag:$0x2] =	stream.indirect_vreg.gather [hbm4b:s1+s3], $0x80, v3, vm0, $0xb8;
	[tilespmem:$0x10400] =	vst v63  }
0x57: {  	s28 =	simm.s32 $0xAC00  }
0x58: {  	[tilespmem:s28], [sflag:$0x2] =	stream.indirect_vreg.gather [hbm4b:s5+s3], $0x80, v3, vm0, $0xb8;
	[tilespmem:$0x10400] =	vst v63  }
0x59: {  	s28 =	simm.s32 $0xB400  }
0x5a: {  	[tilespmem:s28], [sflag:$0x2] =	stream.indirect_vreg.gather [hbm4b:s6+s3], $0x80, v3, vm0, $0xb8;
	[tilespmem:$0x10400] =	vst v63  }
0x5b: {  	s28 =	simm.s32 $0xBC00  }
0x5c: {  	[tilespmem:s28], [sflag:$0x2] =	stream.indirect_vreg.gather [hbm4b:s7+s3], $0x80, v3, vm0, $0xb8;
	[tilespmem:$0x10400] =	vst v63  }
0x5d: {  	v3 =	vld [tilespmem:$0x30];
	_ =	sdelay $0x4  }
0x5e: {  	v61 =	vshll.u32 v3, $0x3  }
0x5f: {  	v3 =	vand.u32 $0x7, v3;
	v4 =	vand.u32 $0xFFFFFFC0, v61  }
0x60: {  	v3 =	vor.u32 v3, v4  }
0x61: {  	v4 =	vperm.xlane v3, v0;
	_ =	sdelay $0x1  }
0x62: {  	v4 =	vadd.s32 v1, v4;
	_ =	sdelay $0x3  }
0x63: {  	s28 =	simm.s32 $0xC400  }
0x64: {  	[tilespmem:s28], [sflag:$0x2] =	stream.indirect_vreg.gather [hbm4b:s1+s3], $0x80, v4, vm0, $0xb8;
	[tilespmem:$0x10400] =	vst v63  }
0x65: {  	v3 =	vperm.xlane v3, v2;
	s28 =	simm.s32 $0xCC00  }
0x66: {  	[tilespmem:s28], [sflag:$0x2] =	stream.indirect_vreg.gather [hbm4b:s5+s3], $0x80, v4, vm0, $0xb8;
	[tilespmem:$0x10400] =	vst v63  }
0x67: {  	v3 =	vadd.s32 v1, v3;
	s28 =	simm.s32 $0xD400  }
0x68: {  	[tilespmem:s28], [sflag:$0x2] =	stream.indirect_vreg.gather [hbm4b:s6+s3], $0x80, v4, vm0, $0xb8;
	[tilespmem:$0x10400] =	vst v63  }
0x69: {  	s28 =	simm.s32 $0xDC00  }
0x6a: {  	[tilespmem:s28], [sflag:$0x2] =	stream.indirect_vreg.gather [hbm4b:s7+s3], $0x80, v4, vm0, $0xb8;
	[tilespmem:$0x10400] =	vst v63  }
0x6b: {  	s28 =	simm.s32 $0xE400  }
0x6c: {  	[tilespmem:s28], [sflag:$0x2] =	stream.indirect_vreg.gather [hbm4b:s1+s3], $0x80, v3, vm0, $0xb8;
	[tilespmem:$0x10400] =	vst v63  }
0x6d: {  	s28 =	simm.s32 $0xEC00  }
0x6e: {  	[tilespmem:s28], [sflag:$0x2] =	stream.indirect_vreg.gather [hbm4b:s5+s3], $0x80, v3, vm0, $0xb8;
	[tilespmem:$0x10400] =	vst v63  }
0x6f: {  	_ = 	snop  }
0x70: {  	[tilespmem:s21], [sflag:$0x2] =	stream.indirect_vreg.gather [hbm4b:s6+s3], $0x80, v3, vm0, $0xb8;
	[tilespmem:$0x10400] =	vst v63  }
0x71: {  	_ = 	snop  }
0x72: {  	[tilespmem:s22], [sflag:$0x2] =	stream.indirect_vreg.gather [hbm4b:s7+s3], $0x80, v3, vm0, $0xb8;
	[tilespmem:$0x10400] =	vst v63  }
0x73: {  	_ =	swait.ge [sflag:s23], $0x8000  }
0x74: {  	[sflag:s23] =	ssyncset.done $0x0  }
0x75: {  	s28 =	rddreg [dreg:$0x6];
	[sflag:s23] =	ssyncadd.s32 $0xFFFF8000  }
0x76: {  	[hbm4b:s28+s3] =	stream.linear.scatter [tilespmem:s16], [sflag:$0x3], $0x8000, $0x38;
	[tilespmem:$0x10400] =	vst v63  }
0x77: {  	_ =	swait.ge [sflag:s24], $0x8000  }
0x78: {  	[sflag:s24] =	ssyncset.done $0x0  }
0x79: {  	[sflag:s24] =	ssyncadd.s32 $0xFFFF8000  }
0x7a: {  	v3 =	vld [tilespmem:$0x40];
	_ =	sdelay $0x4  }
0x7b: {  	v62 =	vshll.u32 v3, $0x3  }
0x7c: {  	v3 =	vand.u32 $0x7, v3;
	v4 =	vand.u32 $0xFFFFFFC0, v62  }
0x7d: {  	v3 =	vor.u32 v3, v4  }
0x7e: {  	v4 =	vperm.xlane v3, v0;
	_ =	sdelay $0x1  }
0x7f: {  	v4 =	vadd.s32 v1, v4;
	_ =	sdelay $0x4  }
0x80: {  	[tilespmem:s16], [sflag:$0x1] =	stream.indirect_vreg.gather [hbm4b:s1+s3], $0x80, v4, vm0, $0xb8;
	[tilespmem:$0x10400] =	vst v63  }
0x81: {  	v3 =	vperm.xlane v3, v2  }
0x82: {  	[tilespmem:s31], [sflag:$0x1] =	stream.indirect_vreg.gather [hbm4b:s5+s3], $0x80, v4, vm0, $0xb8;
	[tilespmem:$0x10400] =	vst v63  }
0x83: {  	v3 =	vadd.s32 v1, v3  }
0x84: {  	[tilespmem:s0], [sflag:$0x1] =	stream.indirect_vreg.gather [hbm4b:s6+s3], $0x80, v4, vm0, $0xb8;
	[tilespmem:$0x10400] =	vst v63  }
0x85: {  	_ = 	snop  }
0x86: {  	[tilespmem:s13], [sflag:$0x1] =	stream.indirect_vreg.gather [hbm4b:s7+s3], $0x80, v4, vm0, $0xb8;
	[tilespmem:$0x10400] =	vst v63  }
0x87: {  	_ = 	snop  }
0x88: {  	[tilespmem:s14], [sflag:$0x1] =	stream.indirect_vreg.gather [hbm4b:s1+s3], $0x80, v3, vm0, $0xb8;
	[tilespmem:$0x10400] =	vst v63  }
0x89: {  	_ = 	snop  }
0x8a: {  	[tilespmem:s4], [sflag:$0x1] =	stream.indirect_vreg.gather [hbm4b:s5+s3], $0x80, v3, vm0, $0xb8;
	[tilespmem:$0x10400] =	vst v63  }
0x8b: {  	_ = 	snop  }
0x8c: {  	[tilespmem:s9], [sflag:$0x1] =	stream.indirect_vreg.gather [hbm4b:s6+s3], $0x80, v3, vm0, $0xb8;
	[tilespmem:$0x10400] =	vst v63  }
0x8d: {  	_ = 	snop  }
0x8e: {  	[tilespmem:s10], [sflag:$0x1] =	stream.indirect_vreg.gather [hbm4b:s7+s3], $0x80, v3, vm0, $0xb8;
	[tilespmem:$0x10400] =	vst v63  }
0x8f: {  	v3 =	vld [tilespmem:$0x50];
	_ =	sdelay $0x4  }
0x90: {  	v63 =	vshll.u32 v3, $0x3  }
0x91: {  	v3 =	vand.u32 $0x7, v3;
	v4 =	vand.u32 $0xFFFFFFC0, v63  }
0x92: {  	v3 =	vor.u32 v3, v4  }
0x93: {  	v4 =	vperm.xlane v3, v0;
	_ =	sdelay $0x1  }
0x94: {  	v4 =	vadd.s32 v1, v4;
	_ =	sdelay $0x4  }
0x95: {  	[tilespmem:s11], [sflag:$0x1] =	stream.indirect_vreg.gather [hbm4b:s1+s3], $0x80, v4, vm0, $0xb8;
	[tilespmem:$0x10400] =	vst v63  }
0x96: {  	v3 =	vperm.xlane v3, v2  }
0x97: {  	[tilespmem:s12], [sflag:$0x1] =	stream.indirect_vreg.gather [hbm4b:s5+s3], $0x80, v4, vm0, $0xb8;
	[tilespmem:$0x10400] =	vst v63  }
0x98: {  	v3 =	vadd.s32 v1, v3  }
0x99: {  	[tilespmem:s8], [sflag:$0x1] =	stream.indirect_vreg.gather [hbm4b:s6+s3], $0x80, v4, vm0, $0xb8;
	[tilespmem:$0x10400] =	vst v63  }
0x9a: {  	_ = 	snop  }
0x9b: {  	[tilespmem:s15], [sflag:$0x1] =	stream.indirect_vreg.gather [hbm4b:s7+s3], $0x80, v4, vm0, $0xb8;
	[tilespmem:$0x10400] =	vst v63  }
0x9c: {  	_ = 	snop  }
0x9d: {  	[tilespmem:s17], [sflag:$0x1] =	stream.indirect_vreg.gather [hbm4b:s1+s3], $0x80, v3, vm0, $0xb8;
	[tilespmem:$0x10400] =	vst v63  }
0x9e: {  	_ = 	snop  }
0x9f: {  	[tilespmem:s18], [sflag:$0x1] =	stream.indirect_vreg.gather [hbm4b:s5+s3], $0x80, v3, vm0, $0xb8;
	[tilespmem:$0x10400] =	vst v63  }
0xa0: {  	_ = 	snop  }
0xa1: {  	[tilespmem:s19], [sflag:$0x1] =	stream.indirect_vreg.gather [hbm4b:s6+s3], $0x80, v3, vm0, $0xb8;
	[tilespmem:$0x10400] =	vst v63  }
0xa2: {  	_ = 	snop  }
0xa3: {  	[tilespmem:s20], [sflag:$0x1] =	stream.indirect_vreg.gather [hbm4b:s7+s3], $0x80, v3, vm0, $0xb8;
	[tilespmem:$0x10400] =	vst v63  }
0xa4: {  	_ =	swait.ge [sflag:s25], $0x8000  }
0xa5: {  	[sflag:s25] =	ssyncset.done $0x0  }
0xa6: {  	s28 =	rddreg [dreg:$0x7];
	[sflag:s25] =	ssyncadd.s32 $0xFFFF8000  }
0xa7: {  	[hbm4b:s28+s3] =	stream.linear.scatter [tilespmem:s2], [sflag:$0x4], $0x8000, $0x38;
	[tilespmem:$0x10400] =	vst v63  }
0xa8: {  	s29 =	simm.s32 $0x90;
	s28 =	simm.s32 $0xFFFE4000  }
.LBB2_2:
0xa9: {  	_ =	swait.ge [sflag:s26], $0x8000  }
0xaa: {  	[sflag:s26] =	ssyncset.done $0x0  }
0xab: {  	[sflag:s26] =	ssyncadd.s32 $0xFFFF8000  }
0xac: {  	v3 =	vld [tilespmem:s29+$0xFFFFFFD0];
	_ =	sdelay $0x4  }
0xad: {  	v4 =	vshll.u32 v3, $0x3  }
0xae: {  	v3 =	vand.u32 $0x7, v3;
	v4 =	vand.u32 $0xFFFFFFC0, v4  }
0xaf: {  	v3 =	vor.u32 v3, v4  }
0xb0: {  	v4 =	vperm.xlane v3, v0;
	_ =	sdelay $0x1  }
0xb1: {  	v4 =	vadd.s32 v1, v4;
	_ =	sdelay $0x4  }
0xb2: {  	[tilespmem:s2], [sflag:$0x2] =	stream.indirect_vreg.gather [hbm4b:s1+s3], $0x80, v4, vm0, $0xb8;
	[tilespmem:$0x10400] =	vst v63  }
0xb3: {  	s30 =	simm.s32 $0x8C00;
	v3 =	vperm.xlane v3, v2  }
0xb4: {  	[tilespmem:s30], [sflag:$0x2] =	stream.indirect_vreg.gather [hbm4b:s5+s3], $0x80, v4, vm0, $0xb8;
	[tilespmem:$0x10400] =	vst v63  }
0xb5: {  	v3 =	vadd.s32 v1, v3;
	s30 =	simm.s32 $0x9400  }
0xb6: {  	[tilespmem:s30], [sflag:$0x2] =	stream.indirect_vreg.gather [hbm4b:s6+s3], $0x80, v4, vm0, $0xb8;
	[tilespmem:$0x10400] =	vst v63  }
0xb7: {  	s30 =	simm.s32 $0x9C00  }
0xb8: {  	[tilespmem:s30], [sflag:$0x2] =	stream.indirect_vreg.gather [hbm4b:s7+s3], $0x80, v4, vm0, $0xb8;
	[tilespmem:$0x10400] =	vst v63  }
0xb9: {  	s30 =	simm.s32 $0xA400  }
0xba: {  	[tilespmem:s30], [sflag:$0x2] =	stream.indirect_vreg.gather [hbm4b:s1+s3], $0x80, v3, vm0, $0xb8;
	[tilespmem:$0x10400] =	vst v63  }
0xbb: {  	s30 =	simm.s32 $0xAC00  }
0xbc: {  	[tilespmem:s30], [sflag:$0x2] =	stream.indirect_vreg.gather [hbm4b:s5+s3], $0x80, v3, vm0, $0xb8;
	[tilespmem:$0x10400] =	vst v63  }
0xbd: {  	s30 =	simm.s32 $0xB400  }
0xbe: {  	[tilespmem:s30], [sflag:$0x2] =	stream.indirect_vreg.gather [hbm4b:s6+s3], $0x80, v3, vm0, $0xb8;
	[tilespmem:$0x10400] =	vst v63  }
0xbf: {  	s30 =	simm.s32 $0xBC00  }
0xc0: {  	[tilespmem:s30], [sflag:$0x2] =	stream.indirect_vreg.gather [hbm4b:s7+s3], $0x80, v3, vm0, $0xb8;
	[tilespmem:$0x10400] =	vst v63  }
0xc1: {  	v3 =	vld [tilespmem:s29+$0xFFFFFFE0];
	_ =	sdelay $0x4  }
0xc2: {  	v61 =	vshll.u32 v3, $0x3  }
0xc3: {  	v3 =	vand.u32 $0x7, v3;
	v4 =	vand.u32 $0xFFFFFFC0, v61  }
0xc4: {  	v3 =	vor.u32 v3, v4  }
0xc5: {  	v4 =	vperm.xlane v3, v0;
	_ =	sdelay $0x1  }
0xc6: {  	v4 =	vadd.s32 v1, v4;
	_ =	sdelay $0x3  }
0xc7: {  	s30 =	simm.s32 $0xC400  }
0xc8: {  	[tilespmem:s30], [sflag:$0x2] =	stream.indirect_vreg.gather [hbm4b:s1+s3], $0x80, v4, vm0, $0xb8;
	[tilespmem:$0x10400] =	vst v63  }
0xc9: {  	v3 =	vperm.xlane v3, v2;
	s30 =	simm.s32 $0xCC00  }
0xca: {  	[tilespmem:s30], [sflag:$0x2] =	stream.indirect_vreg.gather [hbm4b:s5+s3], $0x80, v4, vm0, $0xb8;
	[tilespmem:$0x10400] =	vst v63  }
0xcb: {  	v3 =	vadd.s32 v1, v3;
	s30 =	simm.s32 $0xD400  }
0xcc: {  	[tilespmem:s30], [sflag:$0x2] =	stream.indirect_vreg.gather [hbm4b:s6+s3], $0x80, v4, vm0, $0xb8;
	[tilespmem:$0x10400] =	vst v63  }
0xcd: {  	s30 =	simm.s32 $0xDC00  }
0xce: {  	[tilespmem:s30], [sflag:$0x2] =	stream.indirect_vreg.gather [hbm4b:s7+s3], $0x80, v4, vm0, $0xb8;
	[tilespmem:$0x10400] =	vst v63  }
0xcf: {  	s30 =	simm.s32 $0xE400  }
0xd0: {  	[tilespmem:s30], [sflag:$0x2] =	stream.indirect_vreg.gather [hbm4b:s1+s3], $0x80, v3, vm0, $0xb8;
	[tilespmem:$0x10400] =	vst v63  }
0xd1: {  	s30 =	simm.s32 $0xEC00  }
0xd2: {  	[tilespmem:s30], [sflag:$0x2] =	stream.indirect_vreg.gather [hbm4b:s5+s3], $0x80, v3, vm0, $0xb8;
	[tilespmem:$0x10400] =	vst v63  }
0xd3: {  	_ = 	snop  }
0xd4: {  	[tilespmem:s21], [sflag:$0x2] =	stream.indirect_vreg.gather [hbm4b:s6+s3], $0x80, v3, vm0, $0xb8;
	[tilespmem:$0x10400] =	vst v63  }
0xd5: {  	_ = 	snop  }
0xd6: {  	[tilespmem:s22], [sflag:$0x2] =	stream.indirect_vreg.gather [hbm4b:s7+s3], $0x80, v3, vm0, $0xb8;
	[tilespmem:$0x10400] =	vst v63  }
0xd7: {  	_ =	swait.ge [sflag:s23], $0x8000  }
0xd8: {  	s30 =	rddreg [dreg:$0x4]  }
0xd9: {  	[sflag:s23] =	ssyncset.done $0x0;
	s30 =	sadd.s32 s28, s30  }
0xda: {  	[sflag:s23] =	ssyncadd.s32 $0xFFFF8000;
	s31 =	sadd.s32 $0x1E000, s30  }
0xdb: {  	[hbm4b:s31+s3] =	stream.linear.scatter [tilespmem:s16], [sflag:$0x3], $0x8000, $0x38;
	[tilespmem:$0x10400] =	vst v63  }
0xdc: {  	_ =	swait.ge [sflag:s24], $0x8000  }
0xdd: {  	[sflag:s24] =	ssyncset.done $0x0  }
0xde: {  	[sflag:s24] =	ssyncadd.s32 $0xFFFF8000  }
0xdf: {  	v3 =	vld [tilespmem:s29+$0xFFFFFFF0];
	_ =	sdelay $0x4  }
0xe0: {  	v62 =	vshll.u32 v3, $0x3  }
0xe1: {  	v3 =	vand.u32 $0x7, v3;
	v4 =	vand.u32 $0xFFFFFFC0, v62  }
0xe2: {  	v3 =	vor.u32 v3, v4  }
0xe3: {  	v4 =	vperm.xlane v3, v0;
	_ =	sdelay $0x1  }
0xe4: {  	v4 =	vadd.s32 v1, v4;
	_ =	sdelay $0x4  }
0xe5: {  	[tilespmem:s16], [sflag:$0x1] =	stream.indirect_vreg.gather [hbm4b:s1+s3], $0x80, v4, vm0, $0xb8;
	[tilespmem:$0x10400] =	vst v63  }
0xe6: {  	s31 =	simm.s32 $0xC00;
	v3 =	vperm.xlane v3, v2  }
0xe7: {  	[tilespmem:s31], [sflag:$0x1] =	stream.indirect_vreg.gather [hbm4b:s5+s3], $0x80, v4, vm0, $0xb8;
	[tilespmem:$0x10400] =	vst v63  }
0xe8: {  	v3 =	vadd.s32 v1, v3  }
0xe9: {  	[tilespmem:s0], [sflag:$0x1] =	stream.indirect_vreg.gather [hbm4b:s6+s3], $0x80, v4, vm0, $0xb8;
	[tilespmem:$0x10400] =	vst v63  }
0xea: {  	_ = 	snop  }
0xeb: {  	[tilespmem:s13], [sflag:$0x1] =	stream.indirect_vreg.gather [hbm4b:s7+s3], $0x80, v4, vm0, $0xb8;
	[tilespmem:$0x10400] =	vst v63  }
0xec: {  	_ = 	snop  }
0xed: {  	[tilespmem:s14], [sflag:$0x1] =	stream.indirect_vreg.gather [hbm4b:s1+s3], $0x80, v3, vm0, $0xb8;
	[tilespmem:$0x10400] =	vst v63  }
0xee: {  	_ = 	snop  }
0xef: {  	[tilespmem:s4], [sflag:$0x1] =	stream.indirect_vreg.gather [hbm4b:s5+s3], $0x80, v3, vm0, $0xb8;
	[tilespmem:$0x10400] =	vst v63  }
0xf0: {  	_ = 	snop  }
0xf1: {  	[tilespmem:s9], [sflag:$0x1] =	stream.indirect_vreg.gather [hbm4b:s6+s3], $0x80, v3, vm0, $0xb8;
	[tilespmem:$0x10400] =	vst v63  }
0xf2: {  	_ = 	snop  }
0xf3: {  	[tilespmem:s10], [sflag:$0x1] =	stream.indirect_vreg.gather [hbm4b:s7+s3], $0x80, v3, vm0, $0xb8;
	[tilespmem:$0x10400] =	vst v63  }
0xf4: {  	v3 =	vld [tilespmem:s29+$0x0];
	_ =	sdelay $0x4  }
0xf5: {  	v63 =	vshll.u32 v3, $0x3  }
0xf6: {  	v3 =	vand.u32 $0x7, v3;
	v4 =	vand.u32 $0xFFFFFFC0, v63  }
0xf7: {  	v3 =	vor.u32 v3, v4  }
0xf8: {  	v4 =	vperm.xlane v3, v0;
	_ =	sdelay $0x1  }
0xf9: {  	v4 =	vadd.s32 v1, v4;
	_ =	sdelay $0x4  }
0xfa: {  	[tilespmem:s11], [sflag:$0x1] =	stream.indirect_vreg.gather [hbm4b:s1+s3], $0x80, v4, vm0, $0xb8;
	[tilespmem:$0x10400] =	vst v63  }
0xfb: {  	v3 =	vperm.xlane v3, v2  }
0xfc: {  	[tilespmem:s12], [sflag:$0x1] =	stream.indirect_vreg.gather [hbm4b:s5+s3], $0x80, v4, vm0, $0xb8;
	[tilespmem:$0x10400] =	vst v63  }
0xfd: {  	v3 =	vadd.s32 v1, v3  }
0xfe: {  	[tilespmem:s8], [sflag:$0x1] =	stream.indirect_vreg.gather [hbm4b:s6+s3], $0x80, v4, vm0, $0xb8;
	[tilespmem:$0x10400] =	vst v63  }
0xff: {  	_ = 	snop  }
0x100: {  	[tilespmem:s15], [sflag:$0x1] =	stream.indirect_vreg.gather [hbm4b:s7+s3], $0x80, v4, vm0, $0xb8;
	[tilespmem:$0x10400] =	vst v63  }
0x101: {  	_ = 	snop  }
0x102: {  	[tilespmem:s17], [sflag:$0x1] =	stream.indirect_vreg.gather [hbm4b:s1+s3], $0x80, v3, vm0, $0xb8;
	[tilespmem:$0x10400] =	vst v63  }
0x103: {  	_ = 	snop  }
0x104: {  	[tilespmem:s18], [sflag:$0x1] =	stream.indirect_vreg.gather [hbm4b:s5+s3], $0x80, v3, vm0, $0xb8;
	[tilespmem:$0x10400] =	vst v63  }
0x105: {  	_ = 	snop  }
0x106: {  	[tilespmem:s19], [sflag:$0x1] =	stream.indirect_vreg.gather [hbm4b:s6+s3], $0x80, v3, vm0, $0xb8;
	[tilespmem:$0x10400] =	vst v63  }
0x107: {  	p0 =	sne.s32 s28, $0xFFFFE000  }
0x108: {  	[tilespmem:s20], [sflag:$0x1] =	stream.indirect_vreg.gather [hbm4b:s7+s3], $0x80, v3, vm0, $0xb8;
	[tilespmem:$0x10400] =	vst v63  }
.Ltmp0:
0x109: {  	_ = 	snop;
	(pc) =	sbr.rel @p0 .LBB2_2-.Ltmp0, $4  }
0x10a: {  	_ =	swait.ge [sflag:s25], $0x8000  }
0x10b: {  	s28 =	sadd.s32 $0x2000, s28;
	[sflag:s25] =	ssyncset.done $0x0  }
0x10c: {  	s30 =	sadd.s32 $0x1F000, s30;
	s29 =	sadd.s32 $0x40, s29;
	[sflag:s25] =	ssyncadd.s32 $0xFFFF8000  }
0x10d: {  	[hbm4b:s30+s3] =	stream.linear.scatter [tilespmem:s2], [sflag:$0x4], $0x8000, $0x38;
	[tilespmem:$0x10400] =	vst v63  }
0x10e: {  	_ =	swait.ge [sflag:s26], $0x8000  }
0x10f: {  	[sflag:s26] =	ssyncset.done $0x0  }
0x110: {  	[sflag:s26] =	ssyncadd.s32 $0xFFFF8000  }
0x111: {  	v3 =	vld [tilespmem:$0x3E0];
	_ =	sdelay $0x4  }
0x112: {  	v4 =	vshll.u32 v3, $0x3  }
0x113: {  	v3 =	vand.u32 $0x7, v3;
	v4 =	vand.u32 $0xFFFFFFC0, v4  }
0x114: {  	v3 =	vor.u32 v3, v4  }
0x115: {  	v4 =	vperm.xlane v3, v0;
	_ =	sdelay $0x1  }
0x116: {  	v4 =	vadd.s32 v1, v4;
	_ =	sdelay $0x4  }
0x117: {  	[tilespmem:s2], [sflag:$0x2] =	stream.indirect_vreg.gather [hbm4b:s1+s3], $0x80, v4, vm0, $0xb8;
	[tilespmem:$0x10400] =	vst v63  }
0x118: {  	s0 =	simm.s32 $0x8C00;
	v3 =	vperm.xlane v3, v2  }
0x119: {  	[tilespmem:s0], [sflag:$0x2] =	stream.indirect_vreg.gather [hbm4b:s5+s3], $0x80, v4, vm0, $0xb8;
	[tilespmem:$0x10400] =	vst v63  }
0x11a: {  	s28 =	simm.s32 $0x9400;
	v3 =	vadd.s32 v1, v3  }
0x11b: {  	[tilespmem:s28], [sflag:$0x2] =	stream.indirect_vreg.gather [hbm4b:s6+s3], $0x80, v4, vm0, $0xb8;
	[tilespmem:$0x10400] =	vst v63  }
0x11c: {  	s29 =	simm.s32 $0x9C00  }
0x11d: {  	[tilespmem:s29], [sflag:$0x2] =	stream.indirect_vreg.gather [hbm4b:s7+s3], $0x80, v4, vm0, $0xb8;
	[tilespmem:$0x10400] =	vst v63  }
0x11e: {  	s30 =	simm.s32 $0xA400  }
0x11f: {  	[tilespmem:s30], [sflag:$0x2] =	stream.indirect_vreg.gather [hbm4b:s1+s3], $0x80, v3, vm0, $0xb8;
	[tilespmem:$0x10400] =	vst v63  }
0x120: {  	s28 =	simm.s32 $0xAC00  }
0x121: {  	[tilespmem:s28], [sflag:$0x2] =	stream.indirect_vreg.gather [hbm4b:s5+s3], $0x80, v3, vm0, $0xb8;
	[tilespmem:$0x10400] =	vst v63  }
0x122: {  	s29 =	simm.s32 $0xB400  }
0x123: {  	[tilespmem:s29], [sflag:$0x2] =	stream.indirect_vreg.gather [hbm4b:s6+s3], $0x80, v3, vm0, $0xb8;
	[tilespmem:$0x10400] =	vst v63  }
0x124: {  	s30 =	simm.s32 $0xBC00  }
0x125: {  	[tilespmem:s30], [sflag:$0x2] =	stream.indirect_vreg.gather [hbm4b:s7+s3], $0x80, v3, vm0, $0xb8;
	[tilespmem:$0x10400] =	vst v63  }
0x126: {  	v3 =	vld [tilespmem:$0x3F0];
	_ =	sdelay $0x4  }
0x127: {  	v63 =	vshll.u32 v3, $0x3  }
0x128: {  	v3 =	vand.u32 $0x7, v3;
	v4 =	vand.u32 $0xFFFFFFC0, v63  }
0x129: {  	v3 =	vor.u32 v3, v4  }
0x12a: {  	v4 =	vperm.xlane v3, v0;
	_ =	sdelay $0x1  }
0x12b: {  	v4 =	vadd.s32 v1, v4;
	_ =	sdelay $0x3  }
0x12c: {  	s28 =	simm.s32 $0xC400  }
0x12d: {  	[tilespmem:s28], [sflag:$0x2] =	stream.indirect_vreg.gather [hbm4b:s1+s3], $0x80, v4, vm0, $0xb8;
	[tilespmem:$0x10400] =	vst v63  }
0x12e: {  	s29 =	simm.s32 $0xCC00;
	v3 =	vperm.xlane v3, v2  }
0x12f: {  	[tilespmem:s29], [sflag:$0x2] =	stream.indirect_vreg.gather [hbm4b:s5+s3], $0x80, v4, vm0, $0xb8;
	[tilespmem:$0x10400] =	vst v63  }
0x130: {  	s30 =	simm.s32 $0xD400;
	v3 =	vadd.s32 v1, v3  }
0x131: {  	[tilespmem:s30], [sflag:$0x2] =	stream.indirect_vreg.gather [hbm4b:s6+s3], $0x80, v4, vm0, $0xb8;
	[tilespmem:$0x10400] =	vst v63  }
0x132: {  	s28 =	simm.s32 $0xDC00  }
0x133: {  	[tilespmem:s28], [sflag:$0x2] =	stream.indirect_vreg.gather [hbm4b:s7+s3], $0x80, v4, vm0, $0xb8;
	[tilespmem:$0x10400] =	vst v63  }
0x134: {  	s29 =	simm.s32 $0xE400  }
0x135: {  	[tilespmem:s29], [sflag:$0x2] =	stream.indirect_vreg.gather [hbm4b:s1+s3], $0x80, v3, vm0, $0xb8;
	[tilespmem:$0x10400] =	vst v63  }
0x136: {  	s30 =	simm.s32 $0xEC00  }
0x137: {  	[tilespmem:s30], [sflag:$0x2] =	stream.indirect_vreg.gather [hbm4b:s5+s3], $0x80, v3, vm0, $0xb8;
	[tilespmem:$0x10400] =	vst v63  }
0x138: {  	_ = 	snop  }
0x139: {  	[tilespmem:s21], [sflag:$0x2] =	stream.indirect_vreg.gather [hbm4b:s6+s3], $0x80, v3, vm0, $0xb8;
	[tilespmem:$0x10400] =	vst v63  }
0x13a: {  	_ = 	snop  }
0x13b: {  	[tilespmem:s22], [sflag:$0x2] =	stream.indirect_vreg.gather [hbm4b:s7+s3], $0x80, v3, vm0, $0xb8;
	[tilespmem:$0x10400] =	vst v63  }
0x13c: {  	_ =	swait.ge [sflag:s23], $0x8000  }
0x13d: {  	[sflag:s23] =	ssyncset.done $0x0  }
0x13e: {  	s28 =	rddreg [dreg:$0x8];
	[sflag:s23] =	ssyncadd.s32 $0xFFFF8000  }
0x13f: {  	[hbm4b:s28+s3] =	stream.linear.scatter [tilespmem:s16], [sflag:$0x3], $0x8000, $0x38;
	[tilespmem:$0x10400] =	vst v63  }
0x140: {  	_ =	swait.ge [sflag:s25], $0x8000  }
0x141: {  	[sflag:s25] =	ssyncset.done $0x0  }
0x142: {  	s0 =	rddreg [dreg:$0x9];
	[sflag:s25] =	ssyncadd.s32 $0xFFFF8000  }
0x143: {  	[hbm4b:s0+s3] =	stream.linear.scatter [tilespmem:s2], [sflag:$0x4], $0x8000, $0x38;
	[tilespmem:$0x10400] =	vst v63  }
0x144: {  	_ =	swait.ge [sflag:s24], $0x8000  }
0x145: {  	[sflag:s24] =	ssyncset.done $0x0  }
0x146: {  	[sflag:s24] =	ssyncadd.s32 $0xFFFF8000  }
0x147: {  	_ =	swait.ge [sflag:s26], $0x8000  }
0x148: {  	s29 =	rddreg [dreg:$0xb]  }
0x149: {  	s30 =	rddreg [dreg:$0xa];
	s0 =	sadd.s32 $0x1, s29  }
0x14a: {  	p0 =	sne.s32 s0, s30  }
.Ltmp1:
0x14b: {  	_ = 	snop;
	(pc) =	sbr.rel @p0 .LBB2_1-.Ltmp1, $3  }
0x14c: {  	_ =	sdelay $0x1  }
0x14d: {  	[sflag:s26] =	ssyncset.done $0x0  }
0x14e: {  	[sflag:s26] =	ssyncadd.s32 $0xFFFF8000  }
0x14f: {  	_ =	sfence.sel $0x180000  }
0x150: {  	[bflag:$0x0] =	sbarrier.arrive $0xFFFF  }
0x151: {  	_ =	strace $0x90000047  }
0x152: {  	s0 =	stileid.u32;
	[bflag:$0x2] =	sbarrier.arrive $0xFFFF  }
0x153: {  	p0 =	sne.s32 s0, $0x0;
	s0 =	rddreg [dreg:$0x3]  }
0x154: {  	s0 =	sadd.s32 @!p0 $0x100000, s0  }
0x155: {  	[sflag:s0] =	ssyncadd.tile.s32 @!p0 $0x1;
	_ =	shalt  }
.Lfunc_end2:
_tile_overlayer_lowered:
.L_overlay_start_2:
0x156: {  	(tag) =	ssettag $0x2  }
0x157: {  	s0 =	rddreg [dreg:$0x0];
	s2 =	stileid.u32  }
0x158: {  	s1 =	rddreg [dreg:$0x1];
	p0 =	sne.s32 s2, $0x0  }
0x159: {  	s3 =	rddreg [dreg:$0x2];
	[bflag:$0x3] =	sbarrier.arrive $0xFFFF;
	s2 =	simm.s32 @!p0 $0x1C05  }
0x15a: {  	[timem:s3], [sflag:s2] =	dma.local @!p0 [hbm:s0], s1  }
0x15b: {  	s0 =	simm.s32 @!p0 $0x5  }
0x15c: {  	_ =	swait.ge @!p0 [sflag:s0], s1  }
0x15d: {  	s1 =	ssub.s32 @!p0 $0x0, s1;
	[sflag:s0] =	ssyncset.done @!p0 $0x0  }
0x15e: {  	[sflag:s0] =	ssyncadd.s32 @!p0 s1  }
0x15f: {  	[bflag:$0x3] =	sbarrier.arrive $0xFFFF  }
0x160: {  	_ =	shalt  }

</sc_bundles>
